<compile_context>
chip_gen: v7x
topology: tpu7x:2x2x1
jax: 0.10.2.dev20260603
libtpu: 0.0.44.dev20260713+nightly
codegen_flags: <defaults>
</compile_context>

<pallas_src>
import functools

import jax
import jax.numpy as jnp
from jax import lax
from jax.experimental import pallas as pl
from jax.experimental.pallas import tpu as pltpu, tpu_sc as plsc

_K = 8192
_D = 32
_N = 16384
_R = 128
_H = _K // 2
_C = 128
_COMMIT = 0.25


def _half_scan(mm, rowsum, sume, half):
    R = mm.shape[0]
    bestv = jnp.full((R, _C), jnp.inf, dtype=jnp.float32)
    bestc = jnp.full((R, _C), 0.0, dtype=jnp.float32)
    base = half * _H
    for c in range(_H // _C):
        off = base + c * _C
        d = (rowsum + sume[:, off:off + _C]) - mm[:, off:off + _C]
        lt = d < bestv
        bestv = jnp.where(lt, d, bestv)
        bestc = jnp.where(lt, jnp.float32(c), bestc)
    lane = lax.broadcasted_iota(jnp.int32, (R, _C), 1).astype(jnp.float32)
    jfull = bestc * _C + lane + jnp.float32(base)
    mv = jnp.min(bestv, axis=1, keepdims=True)
    ai = jnp.min(jnp.where(bestv == mv, jfull, jnp.float32(_K)),
                 axis=1, keepdims=True)
    return mv, ai


_T = 2


def _tile_search(x, sume, e):
    lhs = (2.0 * x).astype(jnp.bfloat16).astype(jnp.float32)
    rowsum = jnp.sum(x * x, axis=1, keepdims=True)
    mm = lax.dot_general(
        lhs, e, (((1,), (1,)), ((), ())),
        preferred_element_type=jnp.float32,
    )
    mv0, a0 = _half_scan(mm, rowsum, sume, 0)
    mv1, a1 = _half_scan(mm, rowsum, sume, 1)
    m0b = mv0.astype(jnp.bfloat16).astype(jnp.float32)
    pick1 = mv1 < m0b
    idx = jnp.where(pick1, a1, a0).astype(jnp.int32)
    chosen = jnp.where(pick1, mv1, mv0)
    return idx, jnp.sum(chosen, axis=(0, 1), keepdims=True)


def _search_body(sume_ref, x_ref, e_ref, idx_ref, el_ref, vq_ref):
    i = pl.program_id(0)
    last = i == (_N // (_R * _T)) - 1
    sume = sume_ref[...]
    e = e_ref[...]
    part = jnp.zeros((1, 1), jnp.float32)
    for t in range(_T):
        idx, p = _tile_search(x_ref[pl.ds(t * _R, _R), :], sume, e)
        idx_ref[0, t] = idx.reshape(1, _R)
        part = part + p
    prev = jnp.where(i == 0, 0.0, el_ref[...])
    acc = prev + part.reshape(1, 1, 1)
    el_ref[...] = jnp.where(last, acc * (1.0 / (_N * _D)), acc)
    vq_ref[...] = acc * (_COMMIT / (_N * _D))


def _nearest_code(flat, embedding, sume):
    grid = _N // (_R * _T)
    return pl.pallas_call(
        _search_body,
        grid=(grid,),
        in_specs=[
            pl.BlockSpec((1, _K), lambda i: (0, 0)),
            pl.BlockSpec((_R * _T, _D), lambda i: (i, 0)),
            pl.BlockSpec((_K, _D), lambda i: (0, 0)),
        ],
        out_specs=[
            pl.BlockSpec((1, _T, 1, _R), lambda i: (i // 2, i % 2, 0, 0)),
            pl.BlockSpec((1, 1, 1), lambda i: (0, 0, 0)),
            pl.BlockSpec((1, 1, 1), lambda i: (0, 0, 0)),
        ],
        out_shape=[
            jax.ShapeDtypeStruct((_N // 512, 512 // _R // _T * _T, 1, _R), jnp.int32),
            jax.ShapeDtypeStruct((1, 1, 1), jnp.float32),
            jax.ShapeDtypeStruct((1, 1, 1), jnp.float32),
        ],
    )(sume, flat, embedding)


def _make_gather():
    info = plsc.get_sparse_core_info()
    nc, ns = info.num_cores, info.num_subcores
    nw = nc * ns
    b_per_w = _N // nw
    blk = 128
    nblk = b_per_w // blk
    mesh = plsc.VectorSubcoreMesh(core_axis_name="c", subcore_axis_name="s")

    @functools.partial(
        pl.kernel,
        out_type=jax.ShapeDtypeStruct((_N, _D), jnp.float32),
        mesh=mesh,
        scratch_types=[
            pltpu.VMEM((nblk, blk), jnp.int32),
            pltpu.VMEM((b_per_w, _D), jnp.float32),
            pltpu.SemaphoreType.DMA,
        ],
        compiler_params=pltpu.CompilerParams(use_tc_tiling_on_sc=False),
    )
    def gather(table_hbm, idx_hbm, out_hbm, idx_v, rows_v, sem):
        wid = lax.axis_index("s") * nc + lax.axis_index("c")
        pltpu.sync_copy(idx_hbm.at[wid], idx_v)
        copies = [
            pltpu.async_copy(
                table_hbm.at[idx_v.at[j]],
                rows_v.at[pl.ds(j * blk, blk), :],
                sem,
            )
            for j in range(nblk)
        ]
        for c in copies:
            c.wait()
        pltpu.sync_copy(rows_v, out_hbm.at[pl.ds(wid * b_per_w, b_per_w)])

    return gather, nw, nblk, blk


def kernel(z_e, embedding):
    B, T, D = z_e.shape
    flat = z_e.reshape(-1, D)
    sume = jnp.sum(embedding ** 2, axis=1).reshape(1, _K)

    idx3, el, vq = _nearest_code(flat, embedding, sume)
    indices = idx3.reshape(-1)

    gather, nw, nblk, blk = _make_gather()
    quantized = gather(embedding, idx3.reshape(nw, nblk, blk))

    return (quantized.reshape(B, T, D), indices.reshape(B, T),
            vq.reshape(()), el.reshape(()))

# --- scband reference (transcript-rebuilt; emitter-appended) ---
"""Pipeline reference for scband-vqcodebook-89816356094004 (READ-ONLY COPY).

The authoritative reference and input builder live on the scoring server;
editing this copy changes nothing except your own understanding.
"""

import jax, jax.numpy as jnp
import numpy as np

CODEBOOK_SIZE = 8192
EMBEDDING_DIM = 32
COMMITMENT_COST = 0.25


def setup_inputs(seed: int = 0) -> dict:
    key = jax.random.key(seed)
    k1, k2 = jax.random.split(key)
    z_e = jax.random.normal(k1, (16, 1024, EMBEDDING_DIM), dtype=jnp.float32)
    # embedding initialized uniform(-1/K, 1/K) as in the torch module
    embedding = jax.random.uniform(
        k2, (CODEBOOK_SIZE, EMBEDDING_DIM), dtype=jnp.float32,
        minval=-1.0 / CODEBOOK_SIZE, maxval=1.0 / CODEBOOK_SIZE,
    )
    return {"z_e": z_e, "embedding": embedding}


def reference(z_e, embedding):
    B, T, D = z_e.shape
    flat = z_e.reshape(-1, D)
    # nearest-code search: ||x||^2 + ||e||^2 - 2 x e^T
    dist = (
        jnp.sum(flat ** 2, axis=1, keepdims=True)
        + jnp.sum(embedding ** 2, axis=1)
        - 2.0 * flat @ embedding.T
    )
    indices = jnp.argmin(dist, axis=1)
    quantized = jnp.take(embedding, indices, axis=0).reshape(B, T, D)
    # eval-mode forward: no EMA buffer updates
    e_latent_loss = jnp.mean((jax.lax.stop_gradient(quantized) - z_e) ** 2)
    vq_loss = COMMITMENT_COST * e_latent_loss
    quantized_st = z_e + jax.lax.stop_gradient(quantized - z_e)
    return (quantized_st, indices.reshape(B, T), vq_loss, e_latent_loss)

if __name__ == "__main__":
    import jax
    _d = setup_inputs()
    print(jax.jit(kernel)(*tuple(_d.values())))

</pallas_src>

<mosaic_0001>
#map = affine_map<(d0, d1) -> (0, 0)>
#map1 = affine_map<(d0, d1) -> (0, 0, 0)>
module attributes {stable_mosaic.version = 14 : i64} {
  func.func @gather(%arg0: i32, %arg1: i32, %arg2: memref<8192x32xf32, #tpu.memory_space<hbm>>, %arg3: memref<32x4x128xi32, #tpu.memory_space<hbm>>, %arg4: memref<16384x32xf32, #tpu.memory_space<hbm>>, %arg5: memref<4x128xi32, #tpu.memory_space<vmem>>, %arg6: memref<512x32xf32, #tpu.memory_space<vmem>>, %arg7: memref<!tpu.dma_semaphore, #tpu.memory_space<semaphore_mem>>) attributes {dimension_semantics = [#tpu.dimension_semantics<core_parallel>, #tpu.dimension_semantics<subcore_parallel>], iteration_bounds = array<i64: 2, 16>, scalar_prefetch = 0 : i64, scratch_operands = 3 : i64, tpu.core_type = #tpu.core_type<sc_vector_subcore>, window_params = [{transform_indices = #map}, {transform_indices = #map1}, {transform_indices = #map}]} {
    %mul3A = arith.constant 2 : i32
    %mul3A_0 = arith.muli %arg1, %mul3A : i32
    %add3A = arith.addi %mul3A_0, %arg0 : i32
    "tpu.region"() ({
      %run_scoped3A = tpu.sem_alloc : memref<!tpu.dma_semaphore, #tpu.memory_space<semaphore_mem>>
      %dma_start3A_81 = arith.constant 0 : i32
      %dma_start3A_82 = arith.constant 0 : i32
      %dma_start3A_83 = tpu.memref_slice %arg3[%add3A, %dma_start3A_81, %dma_start3A_82] : memref<32x4x128xi32, #tpu.memory_space<hbm>> -> memref<1x4x128xi32, #tpu.memory_space<hbm>>
      %dma_start3A_84 = tpu.memref_squeeze %dma_start3A_83 : memref<1x4x128xi32, #tpu.memory_space<hbm>> -> memref<4x128xi32, #tpu.memory_space<hbm>>
      %dma_start3A_85 = arith.constant 0 : i32
      %dma_start3A_86 = arith.constant 0 : i32
      %dma_start3A_87 = tpu.memref_slice %arg3[%add3A, %dma_start3A_85, %dma_start3A_86] : memref<32x4x128xi32, #tpu.memory_space<hbm>> -> memref<1x4x128xi32, #tpu.memory_space<hbm>>
      %dma_start3A_88 = tpu.memref_squeeze %dma_start3A_87 : memref<1x4x128xi32, #tpu.memory_space<hbm>> -> memref<4x128xi32, #tpu.memory_space<hbm>>
      tpu.enqueue_dma source(%dma_start3A_88 : memref<4x128xi32, #tpu.memory_space<hbm>>) target(%arg5 : memref<4x128xi32, #tpu.memory_space<vmem>>) target_semaphore(%run_scoped3A : memref<!tpu.dma_semaphore, #tpu.memory_space<semaphore_mem>>)
      %dma_wait3A_89 = arith.constant 0 : i32
      %dma_wait3A_90 = arith.constant 0 : i32
      %dma_wait3A_91 = tpu.memref_slice %arg3[%add3A, %dma_wait3A_89, %dma_wait3A_90] : memref<32x4x128xi32, #tpu.memory_space<hbm>> -> memref<1x4x128xi32, #tpu.memory_space<hbm>>
      %dma_wait3A_92 = tpu.memref_squeeze %dma_wait3A_91 : memref<1x4x128xi32, #tpu.memory_space<hbm>> -> memref<4x128xi32, #tpu.memory_space<hbm>>
      %dma_wait3A_93 = arith.constant 0 : i32
      %dma_wait3A_94 = arith.constant 0 : i32
      %dma_wait3A_95 = tpu.memref_slice %arg3[%add3A, %dma_wait3A_93, %dma_wait3A_94] : memref<32x4x128xi32, #tpu.memory_space<hbm>> -> memref<1x4x128xi32, #tpu.memory_space<hbm>>
      %dma_wait3A_96 = tpu.memref_squeeze %dma_wait3A_95 : memref<1x4x128xi32, #tpu.memory_space<hbm>> -> memref<4x128xi32, #tpu.memory_space<hbm>>
      tpu.wait_dma2 semaphore(%run_scoped3A : memref<!tpu.dma_semaphore, #tpu.memory_space<semaphore_mem>>) src(%dma_wait3A_96 : memref<4x128xi32, #tpu.memory_space<hbm>>) dst(%arg5 : memref<4x128xi32, #tpu.memory_space<vmem>>)
      tpu.yield
    }) : () -> ()
    %dma_start3A = arith.constant 0 : i32
    %dma_start3A_1 = arith.constant 0 : i32
    %dma_start3A_2 = arith.constant 0 : i32
    %dma_start3A_3 = tpu.memref_slice %arg6[%dma_start3A_1, %dma_start3A_2] : memref<512x32xf32, #tpu.memory_space<vmem>> -> memref<128x32xf32, #tpu.memory_space<vmem>>
    %dma_start3A_4 = arith.constant 0 : i32
    %dma_start3A_5 = tpu.memref_slice %arg5[%dma_start3A, %dma_start3A_4] : memref<4x128xi32, #tpu.memory_space<vmem>> -> memref<1x128xi32, #tpu.memory_space<vmem>>
    %dma_start3A_6 = tpu.memref_squeeze %dma_start3A_5 : memref<1x128xi32, #tpu.memory_space<vmem>> -> memref<128xi32, #tpu.memory_space<vmem>>
    %dma_start3A_7 = arith.constant 0 : i32
    %dma_start3A_8 = arith.constant 0 : i32
    %dma_start3A_9 = tpu.memref_slice %arg2[%dma_start3A_7, %dma_start3A_8] : memref<8192x32xf32, #tpu.memory_space<hbm>> -> memref<8192x32xf32, #tpu.memory_space<hbm>>
    tpu.enqueue_indirect_dma source(%dma_start3A_9 : memref<8192x32xf32, #tpu.memory_space<hbm>>) target(%dma_start3A_3 : memref<128x32xf32, #tpu.memory_space<vmem>>) offsets(%dma_start3A_6 : memref<128xi32, #tpu.memory_space<vmem>>) semaphore(%arg7 : memref<!tpu.dma_semaphore, #tpu.memory_space<semaphore_mem>>)
    %dma_start3A_10 = arith.constant 1 : i32
    %dma_start3A_11 = arith.constant 128 : i32
    %dma_start3A_12 = arith.constant 0 : i32
    %dma_start3A_13 = tpu.memref_slice %arg6[%dma_start3A_11, %dma_start3A_12] : memref<512x32xf32, #tpu.memory_space<vmem>> -> memref<128x32xf32, #tpu.memory_space<vmem>>
    %dma_start3A_14 = arith.constant 0 : i32
    %dma_start3A_15 = tpu.memref_slice %arg5[%dma_start3A_10, %dma_start3A_14] : memref<4x128xi32, #tpu.memory_space<vmem>> -> memref<1x128xi32, #tpu.memory_space<vmem>>
    %dma_start3A_16 = tpu.memref_squeeze %dma_start3A_15 : memref<1x128xi32, #tpu.memory_space<vmem>> -> memref<128xi32, #tpu.memory_space<vmem>>
    %dma_start3A_17 = arith.constant 0 : i32
    %dma_start3A_18 = arith.constant 0 : i32
    %dma_start3A_19 = tpu.memref_slice %arg2[%dma_start3A_17, %dma_start3A_18] : memref<8192x32xf32, #tpu.memory_space<hbm>> -> memref<8192x32xf32, #tpu.memory_space<hbm>>
    tpu.enqueue_indirect_dma source(%dma_start3A_19 : memref<8192x32xf32, #tpu.memory_space<hbm>>) target(%dma_start3A_13 : memref<128x32xf32, #tpu.memory_space<vmem>>) offsets(%dma_start3A_16 : memref<128xi32, #tpu.memory_space<vmem>>) semaphore(%arg7 : memref<!tpu.dma_semaphore, #tpu.memory_space<semaphore_mem>>)
    %dma_start3A_20 = arith.constant 2 : i32
    %dma_start3A_21 = arith.constant 256 : i32
    %dma_start3A_22 = arith.constant 0 : i32
    %dma_start3A_23 = tpu.memref_slice %arg6[%dma_start3A_21, %dma_start3A_22] : memref<512x32xf32, #tpu.memory_space<vmem>> -> memref<128x32xf32, #tpu.memory_space<vmem>>
    %dma_start3A_24 = arith.constant 0 : i32
    %dma_start3A_25 = tpu.memref_slice %arg5[%dma_start3A_20, %dma_start3A_24] : memref<4x128xi32, #tpu.memory_space<vmem>> -> memref<1x128xi32, #tpu.memory_space<vmem>>
    %dma_start3A_26 = tpu.memref_squeeze %dma_start3A_25 : memref<1x128xi32, #tpu.memory_space<vmem>> -> memref<128xi32, #tpu.memory_space<vmem>>
    %dma_start3A_27 = arith.constant 0 : i32
    %dma_start3A_28 = arith.constant 0 : i32
    %dma_start3A_29 = tpu.memref_slice %arg2[%dma_start3A_27, %dma_start3A_28] : memref<8192x32xf32, #tpu.memory_space<hbm>> -> memref<8192x32xf32, #tpu.memory_space<hbm>>
    tpu.enqueue_indirect_dma source(%dma_start3A_29 : memref<8192x32xf32, #tpu.memory_space<hbm>>) target(%dma_start3A_23 : memref<128x32xf32, #tpu.memory_space<vmem>>) offsets(%dma_start3A_26 : memref<128xi32, #tpu.memory_space<vmem>>) semaphore(%arg7 : memref<!tpu.dma_semaphore, #tpu.memory_space<semaphore_mem>>)
    %dma_start3A_30 = arith.constant 3 : i32
    %dma_start3A_31 = arith.constant 384 : i32
    %dma_start3A_32 = arith.constant 0 : i32
    %dma_start3A_33 = tpu.memref_slice %arg6[%dma_start3A_31, %dma_start3A_32] : memref<512x32xf32, #tpu.memory_space<vmem>> -> memref<128x32xf32, #tpu.memory_space<vmem>>
    %dma_start3A_34 = arith.constant 0 : i32
    %dma_start3A_35 = tpu.memref_slice %arg5[%dma_start3A_30, %dma_start3A_34] : memref<4x128xi32, #tpu.memory_space<vmem>> -> memref<1x128xi32, #tpu.memory_space<vmem>>
    %dma_start3A_36 = tpu.memref_squeeze %dma_start3A_35 : memref<1x128xi32, #tpu.memory_space<vmem>> -> memref<128xi32, #tpu.memory_space<vmem>>
    %dma_start3A_37 = arith.constant 0 : i32
    %dma_start3A_38 = arith.constant 0 : i32
    %dma_start3A_39 = tpu.memref_slice %arg2[%dma_start3A_37, %dma_start3A_38] : memref<8192x32xf32, #tpu.memory_space<hbm>> -> memref<8192x32xf32, #tpu.memory_space<hbm>>
    tpu.enqueue_indirect_dma source(%dma_start3A_39 : memref<8192x32xf32, #tpu.memory_space<hbm>>) target(%dma_start3A_33 : memref<128x32xf32, #tpu.memory_space<vmem>>) offsets(%dma_start3A_36 : memref<128xi32, #tpu.memory_space<vmem>>) semaphore(%arg7 : memref<!tpu.dma_semaphore, #tpu.memory_space<semaphore_mem>>)
    %dma_wait3A = arith.constant 0 : i32
    %dma_wait3A_40 = arith.constant 0 : i32
    %dma_wait3A_41 = arith.constant 0 : i32
    %dma_wait3A_42 = tpu.memref_slice %arg6[%dma_wait3A_40, %dma_wait3A_41] : memref<512x32xf32, #tpu.memory_space<vmem>> -> memref<128x32xf32, #tpu.memory_space<vmem>>
    %dma_wait3A_43 = arith.constant 0 : i32
    %dma_wait3A_44 = tpu.memref_slice %arg5[%dma_wait3A, %dma_wait3A_43] : memref<4x128xi32, #tpu.memory_space<vmem>> -> memref<1x128xi32, #tpu.memory_space<vmem>>
    %dma_wait3A_45 = tpu.memref_squeeze %dma_wait3A_44 : memref<1x128xi32, #tpu.memory_space<vmem>> -> memref<128xi32, #tpu.memory_space<vmem>>
    %dma_wait3A_46 = arith.constant 0 : i32
    %dma_wait3A_47 = arith.constant 0 : i32
    %dma_wait3A_48 = tpu.memref_slice %arg2[%dma_wait3A_46, %dma_wait3A_47] : memref<8192x32xf32, #tpu.memory_space<hbm>> -> memref<8192x32xf32, #tpu.memory_space<hbm>>
    tpu.wait_indirect_dma semaphore(%arg7 : memref<!tpu.dma_semaphore, #tpu.memory_space<semaphore_mem>>) src(%dma_wait3A_48 : memref<8192x32xf32, #tpu.memory_space<hbm>>) dst(%dma_wait3A_42 : memref<128x32xf32, #tpu.memory_space<vmem>>)
    %dma_wait3A_49 = arith.constant 1 : i32
    %dma_wait3A_50 = arith.constant 128 : i32
    %dma_wait3A_51 = arith.constant 0 : i32
    %dma_wait3A_52 = tpu.memref_slice %arg6[%dma_wait3A_50, %dma_wait3A_51] : memref<512x32xf32, #tpu.memory_space<vmem>> -> memref<128x32xf32, #tpu.memory_space<vmem>>
    %dma_wait3A_53 = arith.constant 0 : i32
    %dma_wait3A_54 = tpu.memref_slice %arg5[%dma_wait3A_49, %dma_wait3A_53] : memref<4x128xi32, #tpu.memory_space<vmem>> -> memref<1x128xi32, #tpu.memory_space<vmem>>
    %dma_wait3A_55 = tpu.memref_squeeze %dma_wait3A_54 : memref<1x128xi32, #tpu.memory_space<vmem>> -> memref<128xi32, #tpu.memory_space<vmem>>
    %dma_wait3A_56 = arith.constant 0 : i32
    %dma_wait3A_57 = arith.constant 0 : i32
    %dma_wait3A_58 = tpu.memref_slice %arg2[%dma_wait3A_56, %dma_wait3A_57] : memref<8192x32xf32, #tpu.memory_space<hbm>> -> memref<8192x32xf32, #tpu.memory_space<hbm>>
    tpu.wait_indirect_dma semaphore(%arg7 : memref<!tpu.dma_semaphore, #tpu.memory_space<semaphore_mem>>) src(%dma_wait3A_58 : memref<8192x32xf32, #tpu.memory_space<hbm>>) dst(%dma_wait3A_52 : memref<128x32xf32, #tpu.memory_space<vmem>>)
    %dma_wait3A_59 = arith.constant 2 : i32
    %dma_wait3A_60 = arith.constant 256 : i32
    %dma_wait3A_61 = arith.constant 0 : i32
    %dma_wait3A_62 = tpu.memref_slice %arg6[%dma_wait3A_60, %dma_wait3A_61] : memref<512x32xf32, #tpu.memory_space<vmem>> -> memref<128x32xf32, #tpu.memory_space<vmem>>
    %dma_wait3A_63 = arith.constant 0 : i32
    %dma_wait3A_64 = tpu.memref_slice %arg5[%dma_wait3A_59, %dma_wait3A_63] : memref<4x128xi32, #tpu.memory_space<vmem>> -> memref<1x128xi32, #tpu.memory_space<vmem>>
    %dma_wait3A_65 = tpu.memref_squeeze %dma_wait3A_64 : memref<1x128xi32, #tpu.memory_space<vmem>> -> memref<128xi32, #tpu.memory_space<vmem>>
    %dma_wait3A_66 = arith.constant 0 : i32
    %dma_wait3A_67 = arith.constant 0 : i32
    %dma_wait3A_68 = tpu.memref_slice %arg2[%dma_wait3A_66, %dma_wait3A_67] : memref<8192x32xf32, #tpu.memory_space<hbm>> -> memref<8192x32xf32, #tpu.memory_space<hbm>>
    tpu.wait_indirect_dma semaphore(%arg7 : memref<!tpu.dma_semaphore, #tpu.memory_space<semaphore_mem>>) src(%dma_wait3A_68 : memref<8192x32xf32, #tpu.memory_space<hbm>>) dst(%dma_wait3A_62 : memref<128x32xf32, #tpu.memory_space<vmem>>)
    %dma_wait3A_69 = arith.constant 3 : i32
    %dma_wait3A_70 = arith.constant 384 : i32
    %dma_wait3A_71 = arith.constant 0 : i32
    %dma_wait3A_72 = tpu.memref_slice %arg6[%dma_wait3A_70, %dma_wait3A_71] : memref<512x32xf32, #tpu.memory_space<vmem>> -> memref<128x32xf32, #tpu.memory_space<vmem>>
    %dma_wait3A_73 = arith.constant 0 : i32
    %dma_wait3A_74 = tpu.memref_slice %arg5[%dma_wait3A_69, %dma_wait3A_73] : memref<4x128xi32, #tpu.memory_space<vmem>> -> memref<1x128xi32, #tpu.memory_space<vmem>>
    %dma_wait3A_75 = tpu.memref_squeeze %dma_wait3A_74 : memref<1x128xi32, #tpu.memory_space<vmem>> -> memref<128xi32, #tpu.memory_space<vmem>>
    %dma_wait3A_76 = arith.constant 0 : i32
    %dma_wait3A_77 = arith.constant 0 : i32
    %dma_wait3A_78 = tpu.memref_slice %arg2[%dma_wait3A_76, %dma_wait3A_77] : memref<8192x32xf32, #tpu.memory_space<hbm>> -> memref<8192x32xf32, #tpu.memory_space<hbm>>
    tpu.wait_indirect_dma semaphore(%arg7 : memref<!tpu.dma_semaphore, #tpu.memory_space<semaphore_mem>>) src(%dma_wait3A_78 : memref<8192x32xf32, #tpu.memory_space<hbm>>) dst(%dma_wait3A_72 : memref<128x32xf32, #tpu.memory_space<vmem>>)
    %mul3A_79 = arith.constant 512 : i32
    %mul3A_80 = arith.muli %add3A, %mul3A_79 : i32
    "tpu.region"() ({
      %run_scoped3A = tpu.sem_alloc : memref<!tpu.dma_semaphore, #tpu.memory_space<semaphore_mem>>
      %dma_start3A_81 = arith.constant 0 : i32
      %dma_start3A_82 = tpu.memref_slice %arg4[%mul3A_80, %dma_start3A_81] : memref<16384x32xf32, #tpu.memory_space<hbm>> -> memref<512x32xf32, #tpu.memory_space<hbm>>
      %dma_start3A_83 = arith.constant 0 : i32
      %dma_start3A_84 = tpu.memref_slice %arg4[%mul3A_80, %dma_start3A_83] : memref<16384x32xf32, #tpu.memory_space<hbm>> -> memref<512x32xf32, #tpu.memory_space<hbm>>
      tpu.enqueue_dma source(%arg6 : memref<512x32xf32, #tpu.memory_space<vmem>>) target(%dma_start3A_84 : memref<512x32xf32, #tpu.memory_space<hbm>>) target_semaphore(%run_scoped3A : memref<!tpu.dma_semaphore, #tpu.memory_space<semaphore_mem>>)
      %dma_wait3A_85 = arith.constant 0 : i32
      %dma_wait3A_86 = tpu.memref_slice %arg4[%mul3A_80, %dma_wait3A_85] : memref<16384x32xf32, #tpu.memory_space<hbm>> -> memref<512x32xf32, #tpu.memory_space<hbm>>
      %dma_wait3A_87 = arith.constant 0 : i32
      %dma_wait3A_88 = tpu.memref_slice %arg4[%mul3A_80, %dma_wait3A_87] : memref<16384x32xf32, #tpu.memory_space<hbm>> -> memref<512x32xf32, #tpu.memory_space<hbm>>
      tpu.wait_dma2 semaphore(%run_scoped3A : memref<!tpu.dma_semaphore, #tpu.memory_space<semaphore_mem>>) src(%arg6 : memref<512x32xf32, #tpu.memory_space<vmem>>) dst(%dma_wait3A_88 : memref<512x32xf32, #tpu.memory_space<hbm>>)
      tpu.yield
    }) : () -> ()
    return
  }
}

module attributes {stable_mosaic.version = 14 : i64} {
  func.func @_search_body(%arg0: i32, %arg1: memref<1x8192xf32, #tpu.memory_space<vmem>>, %arg2: memref<256x32xf32, #tpu.memory_space<vmem>>, %arg3: memref<8192x32xf32, #tpu.memory_space<vmem>>, %arg4: memref<1x2x1x128xi32, #tpu.memory_space<vmem>>, %arg5: memref<1x1x1xf32, #tpu.memory_space<vmem>>, %arg6: memref<1x1x1xf32, #tpu.memory_space<vmem>>) attributes {dimension_semantics = [#tpu.dimension_semantics<arbitrary>], iteration_bounds = array<i64: 64>, scalar_prefetch = 0 : i64, scratch_operands = 0 : i64, tpu.core_type = #tpu.core_type<tc>, window_params = [{pipeline_mode = #tpu.pipeline_mode<synchronous>, transform_indices = @transform_0, window_bounds = array<i64: 1, 8192>}, {transform_indices = @transform_1, window_bounds = array<i64: 256, 32>}, {pipeline_mode = #tpu.pipeline_mode<synchronous>, transform_indices = @transform_2, window_bounds = array<i64: 8192, 32>}, {transform_indices = @transform_3, window_bounds = array<i64: 1, 2, 1, 128>}, {pipeline_mode = #tpu.pipeline_mode<synchronous>, transform_indices = @transform_4, window_bounds = array<i64: 1, 1, 1>}, {pipeline_mode = #tpu.pipeline_mode<synchronous>, transform_indices = @transform_5, window_bounds = array<i64: 1, 1, 1>}]} {
    %eq3A = arith.constant 63 : i32
    %eq3A_0 = arith.cmpi eq, %arg0, %eq3A : i32
    %get3A = arith.constant 0 : index
    %get3A_1 = arith.constant 0 : index
    %get3A_2 = vector.load %arg1[%get3A, %get3A_1] : memref<1x8192xf32, #tpu.memory_space<vmem>>, vector<1x8192xf32>
    %get3A_3 = arith.constant 0 : index
    %get3A_4 = arith.constant 0 : index
    %get3A_5 = vector.load %arg3[%get3A_3, %get3A_4] : memref<8192x32xf32, #tpu.memory_space<vmem>>, vector<8192x32xf32>
    %broadcast_in_dim3A = arith.constant 0.000000e+00 : f32
    %broadcast_in_dim3A_6 = vector.broadcast %broadcast_in_dim3A : f32 to vector<1x1xf32>
    %get3A_7 = arith.constant 0 : index
    %get3A_8 = arith.constant 0 : index
    %get3A_9 = vector.load %arg2[%get3A_7, %get3A_8] : memref<256x32xf32, #tpu.memory_space<vmem>>, vector<128x32xf32>
    %mul3A = arith.constant 2.000000e+00 : f32
    %mul3A_10 = vector.broadcast %mul3A : f32 to vector<128x32xf32>
    %mul3A_11 = arith.mulf %mul3A_10, %get3A_9 : vector<128x32xf32>
    %convert_element_type3A = arith.truncf %mul3A_11 : vector<128x32xf32> to vector<128x32xbf16>
    %convert_element_type3A_12 = arith.extf %convert_element_type3A : vector<128x32xbf16> to vector<128x32xf32>
    %mul3A_13 = arith.mulf %get3A_9, %get3A_9 : vector<128x32xf32>
    %reduce_sum3A = arith.constant dense<0.000000e+00> : vector<128xf32>
    %reduce_sum3A_14 = vector.multi_reduction <add>, %mul3A_13, %reduce_sum3A [1] : vector<128x32xf32> to vector<128xf32>
    %broadcast_in_dim3A_15 = vector.shape_cast %reduce_sum3A_14 : vector<128xf32> to vector<128x1xf32>
    %dot_general3A = arith.constant dense<0.000000e+00> : vector<128x8192xf32>
    %dot_general3A_16 = tpu.matmul %convert_element_type3A_12, %get3A_5, %dot_general3A {dimension_numbers = #tpu.dot_dimension_numbers<[1], [1], [0], [0], [0, 0, 1, 0], [], []>, transpose_lhs_hint = false} : vector<128x32xf32>, vector<8192x32xf32>, vector<128x8192xf32> -> vector<128x8192xf32>
    %broadcast_in_dim3A_17 = arith.constant 0x7F800000 : f32
    %broadcast_in_dim3A_18 = vector.broadcast %broadcast_in_dim3A_17 : f32 to vector<128x128xf32>
    %broadcast_in_dim3A_19 = arith.constant 0.000000e+00 : f32
    %broadcast_in_dim3A_20 = vector.broadcast %broadcast_in_dim3A_19 : f32 to vector<128x128xf32>
    %slice3A = vector.extract_strided_slice %get3A_2 {offsets = [0, 0], sizes = [1, 128], strides = [1, 1]} : vector<1x8192xf32> to vector<1x128xf32>
    %add3A = vector.broadcast %broadcast_in_dim3A_15 : vector<128x1xf32> to vector<128x128xf32>
    %add3A_21 = vector.broadcast %slice3A : vector<1x128xf32> to vector<128x128xf32>
    %add3A_22 = arith.addf %add3A, %add3A_21 : vector<128x128xf32>
    %slice3A_23 = vector.extract_strided_slice %dot_general3A_16 {offsets = [0, 0], sizes = [128, 128], strides = [1, 1]} : vector<128x8192xf32> to vector<128x128xf32>
    %sub3A = arith.subf %add3A_22, %slice3A_23 : vector<128x128xf32>
    %lt3A = arith.cmpf olt, %sub3A, %broadcast_in_dim3A_18 : vector<128x128xf32>
    %select_n3A = arith.select %lt3A, %sub3A, %broadcast_in_dim3A_18 : vector<128x128xi1>, vector<128x128xf32>
    %jit3A = arith.constant 0.000000e+00 : f32
    %broadcast_in_dim3A_24 = vector.broadcast %jit3A : f32 to vector<128x128xf32>
    %select_n3A_25 = arith.select %lt3A, %broadcast_in_dim3A_24, %broadcast_in_dim3A_20 : vector<128x128xi1>, vector<128x128xf32>
    %slice3A_26 = vector.extract_strided_slice %get3A_2 {offsets = [0, 128], sizes = [1, 128], strides = [1, 1]} : vector<1x8192xf32> to vector<1x128xf32>
    %add3A_27 = vector.broadcast %broadcast_in_dim3A_15 : vector<128x1xf32> to vector<128x128xf32>
    %add3A_28 = vector.broadcast %slice3A_26 : vector<1x128xf32> to vector<128x128xf32>
    %add3A_29 = arith.addf %add3A_27, %add3A_28 : vector<128x128xf32>
    %slice3A_30 = vector.extract_strided_slice %dot_general3A_16 {offsets = [0, 128], sizes = [128, 128], strides = [1, 1]} : vector<128x8192xf32> to vector<128x128xf32>
    %sub3A_31 = arith.subf %add3A_29, %slice3A_30 : vector<128x128xf32>
    %lt3A_32 = arith.cmpf olt, %sub3A_31, %select_n3A : vector<128x128xf32>
    %select_n3A_33 = arith.select %lt3A_32, %sub3A_31, %select_n3A : vector<128x128xi1>, vector<128x128xf32>
    %jit3A_34 = arith.constant 1.000000e+00 : f32
    %broadcast_in_dim3A_35 = vector.broadcast %jit3A_34 : f32 to vector<128x128xf32>
    %select_n3A_36 = arith.select %lt3A_32, %broadcast_in_dim3A_35, %select_n3A_25 : vector<128x128xi1>, vector<128x128xf32>
    %slice3A_37 = vector.extract_strided_slice %get3A_2 {offsets = [0, 256], sizes = [1, 128], strides = [1, 1]} : vector<1x8192xf32> to vector<1x128xf32>
    %add3A_38 = vector.broadcast %broadcast_in_dim3A_15 : vector<128x1xf32> to vector<128x128xf32>
    %add3A_39 = vector.broadcast %slice3A_37 : vector<1x128xf32> to vector<128x128xf32>
    %add3A_40 = arith.addf %add3A_38, %add3A_39 : vector<128x128xf32>
    %slice3A_41 = vector.extract_strided_slice %dot_general3A_16 {offsets = [0, 256], sizes = [128, 128], strides = [1, 1]} : vector<128x8192xf32> to vector<128x128xf32>
    %sub3A_42 = arith.subf %add3A_40, %slice3A_41 : vector<128x128xf32>
    %lt3A_43 = arith.cmpf olt, %sub3A_42, %select_n3A_33 : vector<128x128xf32>
    %select_n3A_44 = arith.select %lt3A_43, %sub3A_42, %select_n3A_33 : vector<128x128xi1>, vector<128x128xf32>
    %jit3A_45 = arith.constant 2.000000e+00 : f32
    %broadcast_in_dim3A_46 = vector.broadcast %jit3A_45 : f32 to vector<128x128xf32>
    %select_n3A_47 = arith.select %lt3A_43, %broadcast_in_dim3A_46, %select_n3A_36 : vector<128x128xi1>, vector<128x128xf32>
    %slice3A_48 = vector.extract_strided_slice %get3A_2 {offsets = [0, 384], sizes = [1, 128], strides = [1, 1]} : vector<1x8192xf32> to vector<1x128xf32>
    %add3A_49 = vector.broadcast %broadcast_in_dim3A_15 : vector<128x1xf32> to vector<128x128xf32>
    %add3A_50 = vector.broadcast %slice3A_48 : vector<1x128xf32> to vector<128x128xf32>
    %add3A_51 = arith.addf %add3A_49, %add3A_50 : vector<128x128xf32>
    %slice3A_52 = vector.extract_strided_slice %dot_general3A_16 {offsets = [0, 384], sizes = [128, 128], strides = [1, 1]} : vector<128x8192xf32> to vector<128x128xf32>
    %sub3A_53 = arith.subf %add3A_51, %slice3A_52 : vector<128x128xf32>
    %lt3A_54 = arith.cmpf olt, %sub3A_53, %select_n3A_44 : vector<128x128xf32>
    %select_n3A_55 = arith.select %lt3A_54, %sub3A_53, %select_n3A_44 : vector<128x128xi1>, vector<128x128xf32>
    %jit3A_56 = arith.constant 3.000000e+00 : f32
    %broadcast_in_dim3A_57 = vector.broadcast %jit3A_56 : f32 to vector<128x128xf32>
    %select_n3A_58 = arith.select %lt3A_54, %broadcast_in_dim3A_57, %select_n3A_47 : vector<128x128xi1>, vector<128x128xf32>
    %slice3A_59 = vector.extract_strided_slice %get3A_2 {offsets = [0, 512], sizes = [1, 128], strides = [1, 1]} : vector<1x8192xf32> to vector<1x128xf32>
    %add3A_60 = vector.broadcast %broadcast_in_dim3A_15 : vector<128x1xf32> to vector<128x128xf32>
    %add3A_61 = vector.broadcast %slice3A_59 : vector<1x128xf32> to vector<128x128xf32>
    %add3A_62 = arith.addf %add3A_60, %add3A_61 : vector<128x128xf32>
    %slice3A_63 = vector.extract_strided_slice %dot_general3A_16 {offsets = [0, 512], sizes = [128, 128], strides = [1, 1]} : vector<128x8192xf32> to vector<128x128xf32>
    %sub3A_64 = arith.subf %add3A_62, %slice3A_63 : vector<128x128xf32>
    %lt3A_65 = arith.cmpf olt, %sub3A_64, %select_n3A_55 : vector<128x128xf32>
    %select_n3A_66 = arith.select %lt3A_65, %sub3A_64, %select_n3A_55 : vector<128x128xi1>, vector<128x128xf32>
    %jit3A_67 = arith.constant 4.000000e+00 : f32
    %broadcast_in_dim3A_68 = vector.broadcast %jit3A_67 : f32 to vector<128x128xf32>
    %select_n3A_69 = arith.select %lt3A_65, %broadcast_in_dim3A_68, %select_n3A_58 : vector<128x128xi1>, vector<128x128xf32>
    %slice3A_70 = vector.extract_strided_slice %get3A_2 {offsets = [0, 640], sizes = [1, 128], strides = [1, 1]} : vector<1x8192xf32> to vector<1x128xf32>
    %add3A_71 = vector.broadcast %broadcast_in_dim3A_15 : vector<128x1xf32> to vector<128x128xf32>
    %add3A_72 = vector.broadcast %slice3A_70 : vector<1x128xf32> to vector<128x128xf32>
    %add3A_73 = arith.addf %add3A_71, %add3A_72 : vector<128x128xf32>
    %slice3A_74 = vector.extract_strided_slice %dot_general3A_16 {offsets = [0, 640], sizes = [128, 128], strides = [1, 1]} : vector<128x8192xf32> to vector<128x128xf32>
    %sub3A_75 = arith.subf %add3A_73, %slice3A_74 : vector<128x128xf32>
    %lt3A_76 = arith.cmpf olt, %sub3A_75, %select_n3A_66 : vector<128x128xf32>
    %select_n3A_77 = arith.select %lt3A_76, %sub3A_75, %select_n3A_66 : vector<128x128xi1>, vector<128x128xf32>
    %jit3A_78 = arith.constant 5.000000e+00 : f32
    %broadcast_in_dim3A_79 = vector.broadcast %jit3A_78 : f32 to vector<128x128xf32>
    %select_n3A_80 = arith.select %lt3A_76, %broadcast_in_dim3A_79, %select_n3A_69 : vector<128x128xi1>, vector<128x128xf32>
    %slice3A_81 = vector.extract_strided_slice %get3A_2 {offsets = [0, 768], sizes = [1, 128], strides = [1, 1]} : vector<1x8192xf32> to vector<1x128xf32>
    %add3A_82 = vector.broadcast %broadcast_in_dim3A_15 : vector<128x1xf32> to vector<128x128xf32>
    %add3A_83 = vector.broadcast %slice3A_81 : vector<1x128xf32> to vector<128x128xf32>
    %add3A_84 = arith.addf %add3A_82, %add3A_83 : vector<128x128xf32>
    %slice3A_85 = vector.extract_strided_slice %dot_general3A_16 {offsets = [0, 768], sizes = [128, 128], strides = [1, 1]} : vector<128x8192xf32> to vector<128x128xf32>
    %sub3A_86 = arith.subf %add3A_84, %slice3A_85 : vector<128x128xf32>
    %lt3A_87 = arith.cmpf olt, %sub3A_86, %select_n3A_77 : vector<128x128xf32>
    %select_n3A_88 = arith.select %lt3A_87, %sub3A_86, %select_n3A_77 : vector<128x128xi1>, vector<128x128xf32>
    %jit3A_89 = arith.constant 6.000000e+00 : f32
    %broadcast_in_dim3A_90 = vector.broadcast %jit3A_89 : f32 to vector<128x128xf32>
    %select_n3A_91 = arith.select %lt3A_87, %broadcast_in_dim3A_90, %select_n3A_80 : vector<128x128xi1>, vector<128x128xf32>
    %slice3A_92 = vector.extract_strided_slice %get3A_2 {offsets = [0, 896], sizes = [1, 128], strides = [1, 1]} : vector<1x8192xf32> to vector<1x128xf32>
    %add3A_93 = vector.broadcast %broadcast_in_dim3A_15 : vector<128x1xf32> to vector<128x128xf32>
    %add3A_94 = vector.broadcast %slice3A_92 : vector<1x128xf32> to vector<128x128xf32>
    %add3A_95 = arith.addf %add3A_93, %add3A_94 : vector<128x128xf32>
    %slice3A_96 = vector.extract_strided_slice %dot_general3A_16 {offsets = [0, 896], sizes = [128, 128], strides = [1, 1]} : vector<128x8192xf32> to vector<128x128xf32>
    %sub3A_97 = arith.subf %add3A_95, %slice3A_96 : vector<128x128xf32>
    %lt3A_98 = arith.cmpf olt, %sub3A_97, %select_n3A_88 : vector<128x128xf32>
    %select_n3A_99 = arith.select %lt3A_98, %sub3A_97, %select_n3A_88 : vector<128x128xi1>, vector<128x128xf32>
    %jit3A_100 = arith.constant 7.000000e+00 : f32
    %broadcast_in_dim3A_101 = vector.broadcast %jit3A_100 : f32 to vector<128x128xf32>
    %select_n3A_102 = arith.select %lt3A_98, %broadcast_in_dim3A_101, %select_n3A_91 : vector<128x128xi1>, vector<128x128xf32>
    %slice3A_103 = vector.extract_strided_slice %get3A_2 {offsets = [0, 1024], sizes = [1, 128], strides = [1, 1]} : vector<1x8192xf32> to vector<1x128xf32>
    %add3A_104 = vector.broadcast %broadcast_in_dim3A_15 : vector<128x1xf32> to vector<128x128xf32>
    %add3A_105 = vector.broadcast %slice3A_103 : vector<1x128xf32> to vector<128x128xf32>
    %add3A_106 = arith.addf %add3A_104, %add3A_105 : vector<128x128xf32>
    %slice3A_107 = vector.extract_strided_slice %dot_general3A_16 {offsets = [0, 1024], sizes = [128, 128], strides = [1, 1]} : vector<128x8192xf32> to vector<128x128xf32>
    %sub3A_108 = arith.subf %add3A_106, %slice3A_107 : vector<128x128xf32>
    %lt3A_109 = arith.cmpf olt, %sub3A_108, %select_n3A_99 : vector<128x128xf32>
    %select_n3A_110 = arith.select %lt3A_109, %sub3A_108, %select_n3A_99 : vector<128x128xi1>, vector<128x128xf32>
    %jit3A_111 = arith.constant 8.000000e+00 : f32
    %broadcast_in_dim3A_112 = vector.broadcast %jit3A_111 : f32 to vector<128x128xf32>
    %select_n3A_113 = arith.select %lt3A_109, %broadcast_in_dim3A_112, %select_n3A_102 : vector<128x128xi1>, vector<128x128xf32>
    %slice3A_114 = vector.extract_strided_slice %get3A_2 {offsets = [0, 1152], sizes = [1, 128], strides = [1, 1]} : vector<1x8192xf32> to vector<1x128xf32>
    %add3A_115 = vector.broadcast %broadcast_in_dim3A_15 : vector<128x1xf32> to vector<128x128xf32>
    %add3A_116 = vector.broadcast %slice3A_114 : vector<1x128xf32> to vector<128x128xf32>
    %add3A_117 = arith.addf %add3A_115, %add3A_116 : vector<128x128xf32>
    %slice3A_118 = vector.extract_strided_slice %dot_general3A_16 {offsets = [0, 1152], sizes = [128, 128], strides = [1, 1]} : vector<128x8192xf32> to vector<128x128xf32>
    %sub3A_119 = arith.subf %add3A_117, %slice3A_118 : vector<128x128xf32>
    %lt3A_120 = arith.cmpf olt, %sub3A_119, %select_n3A_110 : vector<128x128xf32>
    %select_n3A_121 = arith.select %lt3A_120, %sub3A_119, %select_n3A_110 : vector<128x128xi1>, vector<128x128xf32>
    %jit3A_122 = arith.constant 9.000000e+00 : f32
    %broadcast_in_dim3A_123 = vector.broadcast %jit3A_122 : f32 to vector<128x128xf32>
    %select_n3A_124 = arith.select %lt3A_120, %broadcast_in_dim3A_123, %select_n3A_113 : vector<128x128xi1>, vector<128x128xf32>
    %slice3A_125 = vector.extract_strided_slice %get3A_2 {offsets = [0, 1280], sizes = [1, 128], strides = [1, 1]} : vector<1x8192xf32> to vector<1x128xf32>
    %add3A_126 = vector.broadcast %broadcast_in_dim3A_15 : vector<128x1xf32> to vector<128x128xf32>
    %add3A_127 = vector.broadcast %slice3A_125 : vector<1x128xf32> to vector<128x128xf32>
    %add3A_128 = arith.addf %add3A_126, %add3A_127 : vector<128x128xf32>
    %slice3A_129 = vector.extract_strided_slice %dot_general3A_16 {offsets = [0, 1280], sizes = [128, 128], strides = [1, 1]} : vector<128x8192xf32> to vector<128x128xf32>
    %sub3A_130 = arith.subf %add3A_128, %slice3A_129 : vector<128x128xf32>
    %lt3A_131 = arith.cmpf olt, %sub3A_130, %select_n3A_121 : vector<128x128xf32>
    %select_n3A_132 = arith.select %lt3A_131, %sub3A_130, %select_n3A_121 : vector<128x128xi1>, vector<128x128xf32>
    %jit3A_133 = arith.constant 1.000000e+01 : f32
    %broadcast_in_dim3A_134 = vector.broadcast %jit3A_133 : f32 to vector<128x128xf32>
    %select_n3A_135 = arith.select %lt3A_131, %broadcast_in_dim3A_134, %select_n3A_124 : vector<128x128xi1>, vector<128x128xf32>
    %slice3A_136 = vector.extract_strided_slice %get3A_2 {offsets = [0, 1408], sizes = [1, 128], strides = [1, 1]} : vector<1x8192xf32> to vector<1x128xf32>
    %add3A_137 = vector.broadcast %broadcast_in_dim3A_15 : vector<128x1xf32> to vector<128x128xf32>
    %add3A_138 = vector.broadcast %slice3A_136 : vector<1x128xf32> to vector<128x128xf32>
    %add3A_139 = arith.addf %add3A_137, %add3A_138 : vector<128x128xf32>
    %slice3A_140 = vector.extract_strided_slice %dot_general3A_16 {offsets = [0, 1408], sizes = [128, 128], strides = [1, 1]} : vector<128x8192xf32> to vector<128x128xf32>
    %sub3A_141 = arith.subf %add3A_139, %slice3A_140 : vector<128x128xf32>
    %lt3A_142 = arith.cmpf olt, %sub3A_141, %select_n3A_132 : vector<128x128xf32>
    %select_n3A_143 = arith.select %lt3A_142, %sub3A_141, %select_n3A_132 : vector<128x128xi1>, vector<128x128xf32>
    %jit3A_144 = arith.constant 1.100000e+01 : f32
    %broadcast_in_dim3A_145 = vector.broadcast %jit3A_144 : f32 to vector<128x128xf32>
    %select_n3A_146 = arith.select %lt3A_142, %broadcast_in_dim3A_145, %select_n3A_135 : vector<128x128xi1>, vector<128x128xf32>
    %slice3A_147 = vector.extract_strided_slice %get3A_2 {offsets = [0, 1536], sizes = [1, 128], strides = [1, 1]} : vector<1x8192xf32> to vector<1x128xf32>
    %add3A_148 = vector.broadcast %broadcast_in_dim3A_15 : vector<128x1xf32> to vector<128x128xf32>
    %add3A_149 = vector.broadcast %slice3A_147 : vector<1x128xf32> to vector<128x128xf32>
    %add3A_150 = arith.addf %add3A_148, %add3A_149 : vector<128x128xf32>
    %slice3A_151 = vector.extract_strided_slice %dot_general3A_16 {offsets = [0, 1536], sizes = [128, 128], strides = [1, 1]} : vector<128x8192xf32> to vector<128x128xf32>
    %sub3A_152 = arith.subf %add3A_150, %slice3A_151 : vector<128x128xf32>
    %lt3A_153 = arith.cmpf olt, %sub3A_152, %select_n3A_143 : vector<128x128xf32>
    %select_n3A_154 = arith.select %lt3A_153, %sub3A_152, %select_n3A_143 : vector<128x128xi1>, vector<128x128xf32>
    %jit3A_155 = arith.constant 1.200000e+01 : f32
    %broadcast_in_dim3A_156 = vector.broadcast %jit3A_155 : f32 to vector<128x128xf32>
    %select_n3A_157 = arith.select %lt3A_153, %broadcast_in_dim3A_156, %select_n3A_146 : vector<128x128xi1>, vector<128x128xf32>
    %slice3A_158 = vector.extract_strided_slice %get3A_2 {offsets = [0, 1664], sizes = [1, 128], strides = [1, 1]} : vector<1x8192xf32> to vector<1x128xf32>
    %add3A_159 = vector.broadcast %broadcast_in_dim3A_15 : vector<128x1xf32> to vector<128x128xf32>
    %add3A_160 = vector.broadcast %slice3A_158 : vector<1x128xf32> to vector<128x128xf32>
    %add3A_161 = arith.addf %add3A_159, %add3A_160 : vector<128x128xf32>
    %slice3A_162 = vector.extract_strided_slice %dot_general3A_16 {offsets = [0, 1664], sizes = [128, 128], strides = [1, 1]} : vector<128x8192xf32> to vector<128x128xf32>
    %sub3A_163 = arith.subf %add3A_161, %slice3A_162 : vector<128x128xf32>
    %lt3A_164 = arith.cmpf olt, %sub3A_163, %select_n3A_154 : vector<128x128xf32>
    %select_n3A_165 = arith.select %lt3A_164, %sub3A_163, %select_n3A_154 : vector<128x128xi1>, vector<128x128xf32>
    %jit3A_166 = arith.constant 1.300000e+01 : f32
    %broadcast_in_dim3A_167 = vector.broadcast %jit3A_166 : f32 to vector<128x128xf32>
    %select_n3A_168 = arith.select %lt3A_164, %broadcast_in_dim3A_167, %select_n3A_157 : vector<128x128xi1>, vector<128x128xf32>
    %slice3A_169 = vector.extract_strided_slice %get3A_2 {offsets = [0, 1792], sizes = [1, 128], strides = [1, 1]} : vector<1x8192xf32> to vector<1x128xf32>
    %add3A_170 = vector.broadcast %broadcast_in_dim3A_15 : vector<128x1xf32> to vector<128x128xf32>
    %add3A_171 = vector.broadcast %slice3A_169 : vector<1x128xf32> to vector<128x128xf32>
    %add3A_172 = arith.addf %add3A_170, %add3A_171 : vector<128x128xf32>
    %slice3A_173 = vector.extract_strided_slice %dot_general3A_16 {offsets = [0, 1792], sizes = [128, 128], strides = [1, 1]} : vector<128x8192xf32> to vector<128x128xf32>
    %sub3A_174 = arith.subf %add3A_172, %slice3A_173 : vector<128x128xf32>
    %lt3A_175 = arith.cmpf olt, %sub3A_174, %select_n3A_165 : vector<128x128xf32>
    %select_n3A_176 = arith.select %lt3A_175, %sub3A_174, %select_n3A_165 : vector<128x128xi1>, vector<128x128xf32>
    %jit3A_177 = arith.constant 1.400000e+01 : f32
    %broadcast_in_dim3A_178 = vector.broadcast %jit3A_177 : f32 to vector<128x128xf32>
    %select_n3A_179 = arith.select %lt3A_175, %broadcast_in_dim3A_178, %select_n3A_168 : vector<128x128xi1>, vector<128x128xf32>
    %slice3A_180 = vector.extract_strided_slice %get3A_2 {offsets = [0, 1920], sizes = [1, 128], strides = [1, 1]} : vector<1x8192xf32> to vector<1x128xf32>
    %add3A_181 = vector.broadcast %broadcast_in_dim3A_15 : vector<128x1xf32> to vector<128x128xf32>
    %add3A_182 = vector.broadcast %slice3A_180 : vector<1x128xf32> to vector<128x128xf32>
    %add3A_183 = arith.addf %add3A_181, %add3A_182 : vector<128x128xf32>
    %slice3A_184 = vector.extract_strided_slice %dot_general3A_16 {offsets = [0, 1920], sizes = [128, 128], strides = [1, 1]} : vector<128x8192xf32> to vector<128x128xf32>
    %sub3A_185 = arith.subf %add3A_183, %slice3A_184 : vector<128x128xf32>
    %lt3A_186 = arith.cmpf olt, %sub3A_185, %select_n3A_176 : vector<128x128xf32>
    %select_n3A_187 = arith.select %lt3A_186, %sub3A_185, %select_n3A_176 : vector<128x128xi1>, vector<128x128xf32>
    %jit3A_188 = arith.constant 1.500000e+01 : f32
    %broadcast_in_dim3A_189 = vector.broadcast %jit3A_188 : f32 to vector<128x128xf32>
    %select_n3A_190 = arith.select %lt3A_186, %broadcast_in_dim3A_189, %select_n3A_179 : vector<128x128xi1>, vector<128x128xf32>
    %slice3A_191 = vector.extract_strided_slice %get3A_2 {offsets = [0, 2048], sizes = [1, 128], strides = [1, 1]} : vector<1x8192xf32> to vector<1x128xf32>
    %add3A_192 = vector.broadcast %broadcast_in_dim3A_15 : vector<128x1xf32> to vector<128x128xf32>
    %add3A_193 = vector.broadcast %slice3A_191 : vector<1x128xf32> to vector<128x128xf32>
    %add3A_194 = arith.addf %add3A_192, %add3A_193 : vector<128x128xf32>
    %slice3A_195 = vector.extract_strided_slice %dot_general3A_16 {offsets = [0, 2048], sizes = [128, 128], strides = [1, 1]} : vector<128x8192xf32> to vector<128x128xf32>
    %sub3A_196 = arith.subf %add3A_194, %slice3A_195 : vector<128x128xf32>
    %lt3A_197 = arith.cmpf olt, %sub3A_196, %select_n3A_187 : vector<128x128xf32>
    %select_n3A_198 = arith.select %lt3A_197, %sub3A_196, %select_n3A_187 : vector<128x128xi1>, vector<128x128xf32>
    %jit3A_199 = arith.constant 1.600000e+01 : f32
    %broadcast_in_dim3A_200 = vector.broadcast %jit3A_199 : f32 to vector<128x128xf32>
    %select_n3A_201 = arith.select %lt3A_197, %broadcast_in_dim3A_200, %select_n3A_190 : vector<128x128xi1>, vector<128x128xf32>
    %slice3A_202 = vector.extract_strided_slice %get3A_2 {offsets = [0, 2176], sizes = [1, 128], strides = [1, 1]} : vector<1x8192xf32> to vector<1x128xf32>
    %add3A_203 = vector.broadcast %broadcast_in_dim3A_15 : vector<128x1xf32> to vector<128x128xf32>
    %add3A_204 = vector.broadcast %slice3A_202 : vector<1x128xf32> to vector<128x128xf32>
    %add3A_205 = arith.addf %add3A_203, %add3A_204 : vector<128x128xf32>
    %slice3A_206 = vector.extract_strided_slice %dot_general3A_16 {offsets = [0, 2176], sizes = [128, 128], strides = [1, 1]} : vector<128x8192xf32> to vector<128x128xf32>
    %sub3A_207 = arith.subf %add3A_205, %slice3A_206 : vector<128x128xf32>
    %lt3A_208 = arith.cmpf olt, %sub3A_207, %select_n3A_198 : vector<128x128xf32>
    %select_n3A_209 = arith.select %lt3A_208, %sub3A_207, %select_n3A_198 : vector<128x128xi1>, vector<128x128xf32>
    %jit3A_210 = arith.constant 1.700000e+01 : f32
    %broadcast_in_dim3A_211 = vector.broadcast %jit3A_210 : f32 to vector<128x128xf32>
    %select_n3A_212 = arith.select %lt3A_208, %broadcast_in_dim3A_211, %select_n3A_201 : vector<128x128xi1>, vector<128x128xf32>
    %slice3A_213 = vector.extract_strided_slice %get3A_2 {offsets = [0, 2304], sizes = [1, 128], strides = [1, 1]} : vector<1x8192xf32> to vector<1x128xf32>
    %add3A_214 = vector.broadcast %broadcast_in_dim3A_15 : vector<128x1xf32> to vector<128x128xf32>
    %add3A_215 = vector.broadcast %slice3A_213 : vector<1x128xf32> to vector<128x128xf32>
    %add3A_216 = arith.addf %add3A_214, %add3A_215 : vector<128x128xf32>
    %slice3A_217 = vector.extract_strided_slice %dot_general3A_16 {offsets = [0, 2304], sizes = [128, 128], strides = [1, 1]} : vector<128x8192xf32> to vector<128x128xf32>
    %sub3A_218 = arith.subf %add3A_216, %slice3A_217 : vector<128x128xf32>
    %lt3A_219 = arith.cmpf olt, %sub3A_218, %select_n3A_209 : vector<128x128xf32>
    %select_n3A_220 = arith.select %lt3A_219, %sub3A_218, %select_n3A_209 : vector<128x128xi1>, vector<128x128xf32>
    %jit3A_221 = arith.constant 1.800000e+01 : f32
    %broadcast_in_dim3A_222 = vector.broadcast %jit3A_221 : f32 to vector<128x128xf32>
    %select_n3A_223 = arith.select %lt3A_219, %broadcast_in_dim3A_222, %select_n3A_212 : vector<128x128xi1>, vector<128x128xf32>
    %slice3A_224 = vector.extract_strided_slice %get3A_2 {offsets = [0, 2432], sizes = [1, 128], strides = [1, 1]} : vector<1x8192xf32> to vector<1x128xf32>
    %add3A_225 = vector.broadcast %broadcast_in_dim3A_15 : vector<128x1xf32> to vector<128x128xf32>
    %add3A_226 = vector.broadcast %slice3A_224 : vector<1x128xf32> to vector<128x128xf32>
    %add3A_227 = arith.addf %add3A_225, %add3A_226 : vector<128x128xf32>
    %slice3A_228 = vector.extract_strided_slice %dot_general3A_16 {offsets = [0, 2432], sizes = [128, 128], strides = [1, 1]} : vector<128x8192xf32> to vector<128x128xf32>
    %sub3A_229 = arith.subf %add3A_227, %slice3A_228 : vector<128x128xf32>
    %lt3A_230 = arith.cmpf olt, %sub3A_229, %select_n3A_220 : vector<128x128xf32>
    %select_n3A_231 = arith.select %lt3A_230, %sub3A_229, %select_n3A_220 : vector<128x128xi1>, vector<128x128xf32>
    %jit3A_232 = arith.constant 1.900000e+01 : f32
    %broadcast_in_dim3A_233 = vector.broadcast %jit3A_232 : f32 to vector<128x128xf32>
    %select_n3A_234 = arith.select %lt3A_230, %broadcast_in_dim3A_233, %select_n3A_223 : vector<128x128xi1>, vector<128x128xf32>
    %slice3A_235 = vector.extract_strided_slice %get3A_2 {offsets = [0, 2560], sizes = [1, 128], strides = [1, 1]} : vector<1x8192xf32> to vector<1x128xf32>
    %add3A_236 = vector.broadcast %broadcast_in_dim3A_15 : vector<128x1xf32> to vector<128x128xf32>
    %add3A_237 = vector.broadcast %slice3A_235 : vector<1x128xf32> to vector<128x128xf32>
    %add3A_238 = arith.addf %add3A_236, %add3A_237 : vector<128x128xf32>
    %slice3A_239 = vector.extract_strided_slice %dot_general3A_16 {offsets = [0, 2560], sizes = [128, 128], strides = [1, 1]} : vector<128x8192xf32> to vector<128x128xf32>
    %sub3A_240 = arith.subf %add3A_238, %slice3A_239 : vector<128x128xf32>
    %lt3A_241 = arith.cmpf olt, %sub3A_240, %select_n3A_231 : vector<128x128xf32>
    %select_n3A_242 = arith.select %lt3A_241, %sub3A_240, %select_n3A_231 : vector<128x128xi1>, vector<128x128xf32>
    %jit3A_243 = arith.constant 2.000000e+01 : f32
    %broadcast_in_dim3A_244 = vector.broadcast %jit3A_243 : f32 to vector<128x128xf32>
    %select_n3A_245 = arith.select %lt3A_241, %broadcast_in_dim3A_244, %select_n3A_234 : vector<128x128xi1>, vector<128x128xf32>
    %slice3A_246 = vector.extract_strided_slice %get3A_2 {offsets = [0, 2688], sizes = [1, 128], strides = [1, 1]} : vector<1x8192xf32> to vector<1x128xf32>
    %add3A_247 = vector.broadcast %broadcast_in_dim3A_15 : vector<128x1xf32> to vector<128x128xf32>
    %add3A_248 = vector.broadcast %slice3A_246 : vector<1x128xf32> to vector<128x128xf32>
    %add3A_249 = arith.addf %add3A_247, %add3A_248 : vector<128x128xf32>
    %slice3A_250 = vector.extract_strided_slice %dot_general3A_16 {offsets = [0, 2688], sizes = [128, 128], strides = [1, 1]} : vector<128x8192xf32> to vector<128x128xf32>
    %sub3A_251 = arith.subf %add3A_249, %slice3A_250 : vector<128x128xf32>
    %lt3A_252 = arith.cmpf olt, %sub3A_251, %select_n3A_242 : vector<128x128xf32>
    %select_n3A_253 = arith.select %lt3A_252, %sub3A_251, %select_n3A_242 : vector<128x128xi1>, vector<128x128xf32>
    %jit3A_254 = arith.constant 2.100000e+01 : f32
    %broadcast_in_dim3A_255 = vector.broadcast %jit3A_254 : f32 to vector<128x128xf32>
    %select_n3A_256 = arith.select %lt3A_252, %broadcast_in_dim3A_255, %select_n3A_245 : vector<128x128xi1>, vector<128x128xf32>
    %slice3A_257 = vector.extract_strided_slice %get3A_2 {offsets = [0, 2816], sizes = [1, 128], strides = [1, 1]} : vector<1x8192xf32> to vector<1x128xf32>
    %add3A_258 = vector.broadcast %broadcast_in_dim3A_15 : vector<128x1xf32> to vector<128x128xf32>
    %add3A_259 = vector.broadcast %slice3A_257 : vector<1x128xf32> to vector<128x128xf32>
    %add3A_260 = arith.addf %add3A_258, %add3A_259 : vector<128x128xf32>
    %slice3A_261 = vector.extract_strided_slice %dot_general3A_16 {offsets = [0, 2816], sizes = [128, 128], strides = [1, 1]} : vector<128x8192xf32> to vector<128x128xf32>
    %sub3A_262 = arith.subf %add3A_260, %slice3A_261 : vector<128x128xf32>
    %lt3A_263 = arith.cmpf olt, %sub3A_262, %select_n3A_253 : vector<128x128xf32>
    %select_n3A_264 = arith.select %lt3A_263, %sub3A_262, %select_n3A_253 : vector<128x128xi1>, vector<128x128xf32>
    %jit3A_265 = arith.constant 2.200000e+01 : f32
    %broadcast_in_dim3A_266 = vector.broadcast %jit3A_265 : f32 to vector<128x128xf32>
    %select_n3A_267 = arith.select %lt3A_263, %broadcast_in_dim3A_266, %select_n3A_256 : vector<128x128xi1>, vector<128x128xf32>
    %slice3A_268 = vector.extract_strided_slice %get3A_2 {offsets = [0, 2944], sizes = [1, 128], strides = [1, 1]} : vector<1x8192xf32> to vector<1x128xf32>
    %add3A_269 = vector.broadcast %broadcast_in_dim3A_15 : vector<128x1xf32> to vector<128x128xf32>
    %add3A_270 = vector.broadcast %slice3A_268 : vector<1x128xf32> to vector<128x128xf32>
    %add3A_271 = arith.addf %add3A_269, %add3A_270 : vector<128x128xf32>
    %slice3A_272 = vector.extract_strided_slice %dot_general3A_16 {offsets = [0, 2944], sizes = [128, 128], strides = [1, 1]} : vector<128x8192xf32> to vector<128x128xf32>
    %sub3A_273 = arith.subf %add3A_271, %slice3A_272 : vector<128x128xf32>
    %lt3A_274 = arith.cmpf olt, %sub3A_273, %select_n3A_264 : vector<128x128xf32>
    %select_n3A_275 = arith.select %lt3A_274, %sub3A_273, %select_n3A_264 : vector<128x128xi1>, vector<128x128xf32>
    %jit3A_276 = arith.constant 2.300000e+01 : f32
    %broadcast_in_dim3A_277 = vector.broadcast %jit3A_276 : f32 to vector<128x128xf32>
    %select_n3A_278 = arith.select %lt3A_274, %broadcast_in_dim3A_277, %select_n3A_267 : vector<128x128xi1>, vector<128x128xf32>
    %slice3A_279 = vector.extract_strided_slice %get3A_2 {offsets = [0, 3072], sizes = [1, 128], strides = [1, 1]} : vector<1x8192xf32> to vector<1x128xf32>
    %add3A_280 = vector.broadcast %broadcast_in_dim3A_15 : vector<128x1xf32> to vector<128x128xf32>
    %add3A_281 = vector.broadcast %slice3A_279 : vector<1x128xf32> to vector<128x128xf32>
    %add3A_282 = arith.addf %add3A_280, %add3A_281 : vector<128x128xf32>
    %slice3A_283 = vector.extract_strided_slice %dot_general3A_16 {offsets = [0, 3072], sizes = [128, 128], strides = [1, 1]} : vector<128x8192xf32> to vector<128x128xf32>
    %sub3A_284 = arith.subf %add3A_282, %slice3A_283 : vector<128x128xf32>
    %lt3A_285 = arith.cmpf olt, %sub3A_284, %select_n3A_275 : vector<128x128xf32>
    %select_n3A_286 = arith.select %lt3A_285, %sub3A_284, %select_n3A_275 : vector<128x128xi1>, vector<128x128xf32>
    %jit3A_287 = arith.constant 2.400000e+01 : f32
    %broadcast_in_dim3A_288 = vector.broadcast %jit3A_287 : f32 to vector<128x128xf32>
    %select_n3A_289 = arith.select %lt3A_285, %broadcast_in_dim3A_288, %select_n3A_278 : vector<128x128xi1>, vector<128x128xf32>
    %slice3A_290 = vector.extract_strided_slice %get3A_2 {offsets = [0, 3200], sizes = [1, 128], strides = [1, 1]} : vector<1x8192xf32> to vector<1x128xf32>
    %add3A_291 = vector.broadcast %broadcast_in_dim3A_15 : vector<128x1xf32> to vector<128x128xf32>
    %add3A_292 = vector.broadcast %slice3A_290 : vector<1x128xf32> to vector<128x128xf32>
    %add3A_293 = arith.addf %add3A_291, %add3A_292 : vector<128x128xf32>
    %slice3A_294 = vector.extract_strided_slice %dot_general3A_16 {offsets = [0, 3200], sizes = [128, 128], strides = [1, 1]} : vector<128x8192xf32> to vector<128x128xf32>
    %sub3A_295 = arith.subf %add3A_293, %slice3A_294 : vector<128x128xf32>
    %lt3A_296 = arith.cmpf olt, %sub3A_295, %select_n3A_286 : vector<128x128xf32>
    %select_n3A_297 = arith.select %lt3A_296, %sub3A_295, %select_n3A_286 : vector<128x128xi1>, vector<128x128xf32>
    %jit3A_298 = arith.constant 2.500000e+01 : f32
    %broadcast_in_dim3A_299 = vector.broadcast %jit3A_298 : f32 to vector<128x128xf32>
    %select_n3A_300 = arith.select %lt3A_296, %broadcast_in_dim3A_299, %select_n3A_289 : vector<128x128xi1>, vector<128x128xf32>
    %slice3A_301 = vector.extract_strided_slice %get3A_2 {offsets = [0, 3328], sizes = [1, 128], strides = [1, 1]} : vector<1x8192xf32> to vector<1x128xf32>
    %add3A_302 = vector.broadcast %broadcast_in_dim3A_15 : vector<128x1xf32> to vector<128x128xf32>
    %add3A_303 = vector.broadcast %slice3A_301 : vector<1x128xf32> to vector<128x128xf32>
    %add3A_304 = arith.addf %add3A_302, %add3A_303 : vector<128x128xf32>
    %slice3A_305 = vector.extract_strided_slice %dot_general3A_16 {offsets = [0, 3328], sizes = [128, 128], strides = [1, 1]} : vector<128x8192xf32> to vector<128x128xf32>
    %sub3A_306 = arith.subf %add3A_304, %slice3A_305 : vector<128x128xf32>
    %lt3A_307 = arith.cmpf olt, %sub3A_306, %select_n3A_297 : vector<128x128xf32>
    %select_n3A_308 = arith.select %lt3A_307, %sub3A_306, %select_n3A_297 : vector<128x128xi1>, vector<128x128xf32>
    %jit3A_309 = arith.constant 2.600000e+01 : f32
    %broadcast_in_dim3A_310 = vector.broadcast %jit3A_309 : f32 to vector<128x128xf32>
    %select_n3A_311 = arith.select %lt3A_307, %broadcast_in_dim3A_310, %select_n3A_300 : vector<128x128xi1>, vector<128x128xf32>
    %slice3A_312 = vector.extract_strided_slice %get3A_2 {offsets = [0, 3456], sizes = [1, 128], strides = [1, 1]} : vector<1x8192xf32> to vector<1x128xf32>
    %add3A_313 = vector.broadcast %broadcast_in_dim3A_15 : vector<128x1xf32> to vector<128x128xf32>
    %add3A_314 = vector.broadcast %slice3A_312 : vector<1x128xf32> to vector<128x128xf32>
    %add3A_315 = arith.addf %add3A_313, %add3A_314 : vector<128x128xf32>
    %slice3A_316 = vector.extract_strided_slice %dot_general3A_16 {offsets = [0, 3456], sizes = [128, 128], strides = [1, 1]} : vector<128x8192xf32> to vector<128x128xf32>
    %sub3A_317 = arith.subf %add3A_315, %slice3A_316 : vector<128x128xf32>
    %lt3A_318 = arith.cmpf olt, %sub3A_317, %select_n3A_308 : vector<128x128xf32>
    %select_n3A_319 = arith.select %lt3A_318, %sub3A_317, %select_n3A_308 : vector<128x128xi1>, vector<128x128xf32>
    %jit3A_320 = arith.constant 2.700000e+01 : f32
    %broadcast_in_dim3A_321 = vector.broadcast %jit3A_320 : f32 to vector<128x128xf32>
    %select_n3A_322 = arith.select %lt3A_318, %broadcast_in_dim3A_321, %select_n3A_311 : vector<128x128xi1>, vector<128x128xf32>
    %slice3A_323 = vector.extract_strided_slice %get3A_2 {offsets = [0, 3584], sizes = [1, 128], strides = [1, 1]} : vector<1x8192xf32> to vector<1x128xf32>
    %add3A_324 = vector.broadcast %broadcast_in_dim3A_15 : vector<128x1xf32> to vector<128x128xf32>
    %add3A_325 = vector.broadcast %slice3A_323 : vector<1x128xf32> to vector<128x128xf32>
    %add3A_326 = arith.addf %add3A_324, %add3A_325 : vector<128x128xf32>
    %slice3A_327 = vector.extract_strided_slice %dot_general3A_16 {offsets = [0, 3584], sizes = [128, 128], strides = [1, 1]} : vector<128x8192xf32> to vector<128x128xf32>
    %sub3A_328 = arith.subf %add3A_326, %slice3A_327 : vector<128x128xf32>
    %lt3A_329 = arith.cmpf olt, %sub3A_328, %select_n3A_319 : vector<128x128xf32>
    %select_n3A_330 = arith.select %lt3A_329, %sub3A_328, %select_n3A_319 : vector<128x128xi1>, vector<128x128xf32>
    %jit3A_331 = arith.constant 2.800000e+01 : f32
    %broadcast_in_dim3A_332 = vector.broadcast %jit3A_331 : f32 to vector<128x128xf32>
    %select_n3A_333 = arith.select %lt3A_329, %broadcast_in_dim3A_332, %select_n3A_322 : vector<128x128xi1>, vector<128x128xf32>
    %slice3A_334 = vector.extract_strided_slice %get3A_2 {offsets = [0, 3712], sizes = [1, 128], strides = [1, 1]} : vector<1x8192xf32> to vector<1x128xf32>
    %add3A_335 = vector.broadcast %broadcast_in_dim3A_15 : vector<128x1xf32> to vector<128x128xf32>
    %add3A_336 = vector.broadcast %slice3A_334 : vector<1x128xf32> to vector<128x128xf32>
    %add3A_337 = arith.addf %add3A_335, %add3A_336 : vector<128x128xf32>
    %slice3A_338 = vector.extract_strided_slice %dot_general3A_16 {offsets = [0, 3712], sizes = [128, 128], strides = [1, 1]} : vector<128x8192xf32> to vector<128x128xf32>
    %sub3A_339 = arith.subf %add3A_337, %slice3A_338 : vector<128x128xf32>
    %lt3A_340 = arith.cmpf olt, %sub3A_339, %select_n3A_330 : vector<128x128xf32>
    %select_n3A_341 = arith.select %lt3A_340, %sub3A_339, %select_n3A_330 : vector<128x128xi1>, vector<128x128xf32>
    %jit3A_342 = arith.constant 2.900000e+01 : f32
    %broadcast_in_dim3A_343 = vector.broadcast %jit3A_342 : f32 to vector<128x128xf32>
    %select_n3A_344 = arith.select %lt3A_340, %broadcast_in_dim3A_343, %select_n3A_333 : vector<128x128xi1>, vector<128x128xf32>
    %slice3A_345 = vector.extract_strided_slice %get3A_2 {offsets = [0, 3840], sizes = [1, 128], strides = [1, 1]} : vector<1x8192xf32> to vector<1x128xf32>
    %add3A_346 = vector.broadcast %broadcast_in_dim3A_15 : vector<128x1xf32> to vector<128x128xf32>
    %add3A_347 = vector.broadcast %slice3A_345 : vector<1x128xf32> to vector<128x128xf32>
    %add3A_348 = arith.addf %add3A_346, %add3A_347 : vector<128x128xf32>
    %slice3A_349 = vector.extract_strided_slice %dot_general3A_16 {offsets = [0, 3840], sizes = [128, 128], strides = [1, 1]} : vector<128x8192xf32> to vector<128x128xf32>
    %sub3A_350 = arith.subf %add3A_348, %slice3A_349 : vector<128x128xf32>
    %lt3A_351 = arith.cmpf olt, %sub3A_350, %select_n3A_341 : vector<128x128xf32>
    %select_n3A_352 = arith.select %lt3A_351, %sub3A_350, %select_n3A_341 : vector<128x128xi1>, vector<128x128xf32>
    %jit3A_353 = arith.constant 3.000000e+01 : f32
    %broadcast_in_dim3A_354 = vector.broadcast %jit3A_353 : f32 to vector<128x128xf32>
    %select_n3A_355 = arith.select %lt3A_351, %broadcast_in_dim3A_354, %select_n3A_344 : vector<128x128xi1>, vector<128x128xf32>
    %slice3A_356 = vector.extract_strided_slice %get3A_2 {offsets = [0, 3968], sizes = [1, 128], strides = [1, 1]} : vector<1x8192xf32> to vector<1x128xf32>
    %add3A_357 = vector.broadcast %broadcast_in_dim3A_15 : vector<128x1xf32> to vector<128x128xf32>
    %add3A_358 = vector.broadcast %slice3A_356 : vector<1x128xf32> to vector<128x128xf32>
    %add3A_359 = arith.addf %add3A_357, %add3A_358 : vector<128x128xf32>
    %slice3A_360 = vector.extract_strided_slice %dot_general3A_16 {offsets = [0, 3968], sizes = [128, 128], strides = [1, 1]} : vector<128x8192xf32> to vector<128x128xf32>
    %sub3A_361 = arith.subf %add3A_359, %slice3A_360 : vector<128x128xf32>
    %lt3A_362 = arith.cmpf olt, %sub3A_361, %select_n3A_352 : vector<128x128xf32>
    %select_n3A_363 = arith.select %lt3A_362, %sub3A_361, %select_n3A_352 : vector<128x128xi1>, vector<128x128xf32>
    %jit3A_364 = arith.constant 3.100000e+01 : f32
    %broadcast_in_dim3A_365 = vector.broadcast %jit3A_364 : f32 to vector<128x128xf32>
    %select_n3A_366 = arith.select %lt3A_362, %broadcast_in_dim3A_365, %select_n3A_355 : vector<128x128xi1>, vector<128x128xf32>
    %iota3A = tpu.iota {dimensions = array<i32: 1>} : vector<128x128xi32>
    %convert_element_type3A_367 = arith.sitofp %iota3A : vector<128x128xi32> to vector<128x128xf32>
    %mul3A_368 = arith.constant 1.280000e+02 : f32
    %mul3A_369 = vector.broadcast %mul3A_368 : f32 to vector<128x128xf32>
    %mul3A_370 = arith.mulf %select_n3A_366, %mul3A_369 : vector<128x128xf32>
    %add3A_371 = arith.addf %mul3A_370, %convert_element_type3A_367 : vector<128x128xf32>
    %add3A_372 = arith.constant 0.000000e+00 : f32
    %add3A_373 = vector.broadcast %add3A_372 : f32 to vector<128x128xf32>
    %add3A_374 = arith.addf %add3A_371, %add3A_373 : vector<128x128xf32>
    %reduce_min3A = arith.constant dense<0x7F800000> : vector<128xf32>
    %reduce_min3A_375 = vector.multi_reduction <minimumf>, %select_n3A_363, %reduce_min3A [1] : vector<128x128xf32> to vector<128xf32>
    %broadcast_in_dim3A_376 = vector.shape_cast %reduce_min3A_375 : vector<128xf32> to vector<128x1xf32>
    %eq3A_377 = vector.broadcast %broadcast_in_dim3A_376 : vector<128x1xf32> to vector<128x128xf32>
    %eq3A_378 = arith.cmpf oeq, %select_n3A_363, %eq3A_377 : vector<128x128xf32>
    %jit3A_379 = arith.constant 8.192000e+03 : f32
    %broadcast_in_dim3A_380 = vector.broadcast %jit3A_379 : f32 to vector<128x128xf32>
    %select_n3A_381 = arith.select %eq3A_378, %add3A_374, %broadcast_in_dim3A_380 : vector<128x128xi1>, vector<128x128xf32>
    %reduce_min3A_382 = arith.constant dense<0x7F800000> : vector<128xf32>
    %reduce_min3A_383 = vector.multi_reduction <minimumf>, %select_n3A_381, %reduce_min3A_382 [1] : vector<128x128xf32> to vector<128xf32>
    %broadcast_in_dim3A_384 = vector.shape_cast %reduce_min3A_383 : vector<128xf32> to vector<128x1xf32>
    %broadcast_in_dim3A_385 = arith.constant 0x7F800000 : f32
    %broadcast_in_dim3A_386 = vector.broadcast %broadcast_in_dim3A_385 : f32 to vector<128x128xf32>
    %broadcast_in_dim3A_387 = arith.constant 0.000000e+00 : f32
    %broadcast_in_dim3A_388 = vector.broadcast %broadcast_in_dim3A_387 : f32 to vector<128x128xf32>
    %slice3A_389 = vector.extract_strided_slice %get3A_2 {offsets = [0, 4096], sizes = [1, 128], strides = [1, 1]} : vector<1x8192xf32> to vector<1x128xf32>
    %add3A_390 = vector.broadcast %broadcast_in_dim3A_15 : vector<128x1xf32> to vector<128x128xf32>
    %add3A_391 = vector.broadcast %slice3A_389 : vector<1x128xf32> to vector<128x128xf32>
    %add3A_392 = arith.addf %add3A_390, %add3A_391 : vector<128x128xf32>
    %slice3A_393 = vector.extract_strided_slice %dot_general3A_16 {offsets = [0, 4096], sizes = [128, 128], strides = [1, 1]} : vector<128x8192xf32> to vector<128x128xf32>
    %sub3A_394 = arith.subf %add3A_392, %slice3A_393 : vector<128x128xf32>
    %lt3A_395 = arith.cmpf olt, %sub3A_394, %broadcast_in_dim3A_386 : vector<128x128xf32>
    %select_n3A_396 = arith.select %lt3A_395, %sub3A_394, %broadcast_in_dim3A_386 : vector<128x128xi1>, vector<128x128xf32>
    %jit3A_397 = arith.constant 0.000000e+00 : f32
    %broadcast_in_dim3A_398 = vector.broadcast %jit3A_397 : f32 to vector<128x128xf32>
    %select_n3A_399 = arith.select %lt3A_395, %broadcast_in_dim3A_398, %broadcast_in_dim3A_388 : vector<128x128xi1>, vector<128x128xf32>
    %slice3A_400 = vector.extract_strided_slice %get3A_2 {offsets = [0, 4224], sizes = [1, 128], strides = [1, 1]} : vector<1x8192xf32> to vector<1x128xf32>
    %add3A_401 = vector.broadcast %broadcast_in_dim3A_15 : vector<128x1xf32> to vector<128x128xf32>
    %add3A_402 = vector.broadcast %slice3A_400 : vector<1x128xf32> to vector<128x128xf32>
    %add3A_403 = arith.addf %add3A_401, %add3A_402 : vector<128x128xf32>
    %slice3A_404 = vector.extract_strided_slice %dot_general3A_16 {offsets = [0, 4224], sizes = [128, 128], strides = [1, 1]} : vector<128x8192xf32> to vector<128x128xf32>
    %sub3A_405 = arith.subf %add3A_403, %slice3A_404 : vector<128x128xf32>
    %lt3A_406 = arith.cmpf olt, %sub3A_405, %select_n3A_396 : vector<128x128xf32>
    %select_n3A_407 = arith.select %lt3A_406, %sub3A_405, %select_n3A_396 : vector<128x128xi1>, vector<128x128xf32>
    %jit3A_408 = arith.constant 1.000000e+00 : f32
    %broadcast_in_dim3A_409 = vector.broadcast %jit3A_408 : f32 to vector<128x128xf32>
    %select_n3A_410 = arith.select %lt3A_406, %broadcast_in_dim3A_409, %select_n3A_399 : vector<128x128xi1>, vector<128x128xf32>
    %slice3A_411 = vector.extract_strided_slice %get3A_2 {offsets = [0, 4352], sizes = [1, 128], strides = [1, 1]} : vector<1x8192xf32> to vector<1x128xf32>
    %add3A_412 = vector.broadcast %broadcast_in_dim3A_15 : vector<128x1xf32> to vector<128x128xf32>
    %add3A_413 = vector.broadcast %slice3A_411 : vector<1x128xf32> to vector<128x128xf32>
    %add3A_414 = arith.addf %add3A_412, %add3A_413 : vector<128x128xf32>
    %slice3A_415 = vector.extract_strided_slice %dot_general3A_16 {offsets = [0, 4352], sizes = [128, 128], strides = [1, 1]} : vector<128x8192xf32> to vector<128x128xf32>
    %sub3A_416 = arith.subf %add3A_414, %slice3A_415 : vector<128x128xf32>
    %lt3A_417 = arith.cmpf olt, %sub3A_416, %select_n3A_407 : vector<128x128xf32>
    %select_n3A_418 = arith.select %lt3A_417, %sub3A_416, %select_n3A_407 : vector<128x128xi1>, vector<128x128xf32>
    %jit3A_419 = arith.constant 2.000000e+00 : f32
    %broadcast_in_dim3A_420 = vector.broadcast %jit3A_419 : f32 to vector<128x128xf32>
    %select_n3A_421 = arith.select %lt3A_417, %broadcast_in_dim3A_420, %select_n3A_410 : vector<128x128xi1>, vector<128x128xf32>
    %slice3A_422 = vector.extract_strided_slice %get3A_2 {offsets = [0, 4480], sizes = [1, 128], strides = [1, 1]} : vector<1x8192xf32> to vector<1x128xf32>
    %add3A_423 = vector.broadcast %broadcast_in_dim3A_15 : vector<128x1xf32> to vector<128x128xf32>
    %add3A_424 = vector.broadcast %slice3A_422 : vector<1x128xf32> to vector<128x128xf32>
    %add3A_425 = arith.addf %add3A_423, %add3A_424 : vector<128x128xf32>
    %slice3A_426 = vector.extract_strided_slice %dot_general3A_16 {offsets = [0, 4480], sizes = [128, 128], strides = [1, 1]} : vector<128x8192xf32> to vector<128x128xf32>
    %sub3A_427 = arith.subf %add3A_425, %slice3A_426 : vector<128x128xf32>
    %lt3A_428 = arith.cmpf olt, %sub3A_427, %select_n3A_418 : vector<128x128xf32>
    %select_n3A_429 = arith.select %lt3A_428, %sub3A_427, %select_n3A_418 : vector<128x128xi1>, vector<128x128xf32>
    %jit3A_430 = arith.constant 3.000000e+00 : f32
    %broadcast_in_dim3A_431 = vector.broadcast %jit3A_430 : f32 to vector<128x128xf32>
    %select_n3A_432 = arith.select %lt3A_428, %broadcast_in_dim3A_431, %select_n3A_421 : vector<128x128xi1>, vector<128x128xf32>
    %slice3A_433 = vector.extract_strided_slice %get3A_2 {offsets = [0, 4608], sizes = [1, 128], strides = [1, 1]} : vector<1x8192xf32> to vector<1x128xf32>
    %add3A_434 = vector.broadcast %broadcast_in_dim3A_15 : vector<128x1xf32> to vector<128x128xf32>
    %add3A_435 = vector.broadcast %slice3A_433 : vector<1x128xf32> to vector<128x128xf32>
    %add3A_436 = arith.addf %add3A_434, %add3A_435 : vector<128x128xf32>
    %slice3A_437 = vector.extract_strided_slice %dot_general3A_16 {offsets = [0, 4608], sizes = [128, 128], strides = [1, 1]} : vector<128x8192xf32> to vector<128x128xf32>
    %sub3A_438 = arith.subf %add3A_436, %slice3A_437 : vector<128x128xf32>
    %lt3A_439 = arith.cmpf olt, %sub3A_438, %select_n3A_429 : vector<128x128xf32>
    %select_n3A_440 = arith.select %lt3A_439, %sub3A_438, %select_n3A_429 : vector<128x128xi1>, vector<128x128xf32>
    %jit3A_441 = arith.constant 4.000000e+00 : f32
    %broadcast_in_dim3A_442 = vector.broadcast %jit3A_441 : f32 to vector<128x128xf32>
    %select_n3A_443 = arith.select %lt3A_439, %broadcast_in_dim3A_442, %select_n3A_432 : vector<128x128xi1>, vector<128x128xf32>
    %slice3A_444 = vector.extract_strided_slice %get3A_2 {offsets = [0, 4736], sizes = [1, 128], strides = [1, 1]} : vector<1x8192xf32> to vector<1x128xf32>
    %add3A_445 = vector.broadcast %broadcast_in_dim3A_15 : vector<128x1xf32> to vector<128x128xf32>
    %add3A_446 = vector.broadcast %slice3A_444 : vector<1x128xf32> to vector<128x128xf32>
    %add3A_447 = arith.addf %add3A_445, %add3A_446 : vector<128x128xf32>
    %slice3A_448 = vector.extract_strided_slice %dot_general3A_16 {offsets = [0, 4736], sizes = [128, 128], strides = [1, 1]} : vector<128x8192xf32> to vector<128x128xf32>
    %sub3A_449 = arith.subf %add3A_447, %slice3A_448 : vector<128x128xf32>
    %lt3A_450 = arith.cmpf olt, %sub3A_449, %select_n3A_440 : vector<128x128xf32>
    %select_n3A_451 = arith.select %lt3A_450, %sub3A_449, %select_n3A_440 : vector<128x128xi1>, vector<128x128xf32>
    %jit3A_452 = arith.constant 5.000000e+00 : f32
    %broadcast_in_dim3A_453 = vector.broadcast %jit3A_452 : f32 to vector<128x128xf32>
    %select_n3A_454 = arith.select %lt3A_450, %broadcast_in_dim3A_453, %select_n3A_443 : vector<128x128xi1>, vector<128x128xf32>
    %slice3A_455 = vector.extract_strided_slice %get3A_2 {offsets = [0, 4864], sizes = [1, 128], strides = [1, 1]} : vector<1x8192xf32> to vector<1x128xf32>
    %add3A_456 = vector.broadcast %broadcast_in_dim3A_15 : vector<128x1xf32> to vector<128x128xf32>
    %add3A_457 = vector.broadcast %slice3A_455 : vector<1x128xf32> to vector<128x128xf32>
    %add3A_458 = arith.addf %add3A_456, %add3A_457 : vector<128x128xf32>
    %slice3A_459 = vector.extract_strided_slice %dot_general3A_16 {offsets = [0, 4864], sizes = [128, 128], strides = [1, 1]} : vector<128x8192xf32> to vector<128x128xf32>
    %sub3A_460 = arith.subf %add3A_458, %slice3A_459 : vector<128x128xf32>
    %lt3A_461 = arith.cmpf olt, %sub3A_460, %select_n3A_451 : vector<128x128xf32>
    %select_n3A_462 = arith.select %lt3A_461, %sub3A_460, %select_n3A_451 : vector<128x128xi1>, vector<128x128xf32>
    %jit3A_463 = arith.constant 6.000000e+00 : f32
    %broadcast_in_dim3A_464 = vector.broadcast %jit3A_463 : f32 to vector<128x128xf32>
    %select_n3A_465 = arith.select %lt3A_461, %broadcast_in_dim3A_464, %select_n3A_454 : vector<128x128xi1>, vector<128x128xf32>
    %slice3A_466 = vector.extract_strided_slice %get3A_2 {offsets = [0, 4992], sizes = [1, 128], strides = [1, 1]} : vector<1x8192xf32> to vector<1x128xf32>
    %add3A_467 = vector.broadcast %broadcast_in_dim3A_15 : vector<128x1xf32> to vector<128x128xf32>
    %add3A_468 = vector.broadcast %slice3A_466 : vector<1x128xf32> to vector<128x128xf32>
    %add3A_469 = arith.addf %add3A_467, %add3A_468 : vector<128x128xf32>
    %slice3A_470 = vector.extract_strided_slice %dot_general3A_16 {offsets = [0, 4992], sizes = [128, 128], strides = [1, 1]} : vector<128x8192xf32> to vector<128x128xf32>
    %sub3A_471 = arith.subf %add3A_469, %slice3A_470 : vector<128x128xf32>
    %lt3A_472 = arith.cmpf olt, %sub3A_471, %select_n3A_462 : vector<128x128xf32>
    %select_n3A_473 = arith.select %lt3A_472, %sub3A_471, %select_n3A_462 : vector<128x128xi1>, vector<128x128xf32>
    %jit3A_474 = arith.constant 7.000000e+00 : f32
    %broadcast_in_dim3A_475 = vector.broadcast %jit3A_474 : f32 to vector<128x128xf32>
    %select_n3A_476 = arith.select %lt3A_472, %broadcast_in_dim3A_475, %select_n3A_465 : vector<128x128xi1>, vector<128x128xf32>
    %slice3A_477 = vector.extract_strided_slice %get3A_2 {offsets = [0, 5120], sizes = [1, 128], strides = [1, 1]} : vector<1x8192xf32> to vector<1x128xf32>
    %add3A_478 = vector.broadcast %broadcast_in_dim3A_15 : vector<128x1xf32> to vector<128x128xf32>
    %add3A_479 = vector.broadcast %slice3A_477 : vector<1x128xf32> to vector<128x128xf32>
    %add3A_480 = arith.addf %add3A_478, %add3A_479 : vector<128x128xf32>
    %slice3A_481 = vector.extract_strided_slice %dot_general3A_16 {offsets = [0, 5120], sizes = [128, 128], strides = [1, 1]} : vector<128x8192xf32> to vector<128x128xf32>
    %sub3A_482 = arith.subf %add3A_480, %slice3A_481 : vector<128x128xf32>
    %lt3A_483 = arith.cmpf olt, %sub3A_482, %select_n3A_473 : vector<128x128xf32>
    %select_n3A_484 = arith.select %lt3A_483, %sub3A_482, %select_n3A_473 : vector<128x128xi1>, vector<128x128xf32>
    %jit3A_485 = arith.constant 8.000000e+00 : f32
    %broadcast_in_dim3A_486 = vector.broadcast %jit3A_485 : f32 to vector<128x128xf32>
    %select_n3A_487 = arith.select %lt3A_483, %broadcast_in_dim3A_486, %select_n3A_476 : vector<128x128xi1>, vector<128x128xf32>
    %slice3A_488 = vector.extract_strided_slice %get3A_2 {offsets = [0, 5248], sizes = [1, 128], strides = [1, 1]} : vector<1x8192xf32> to vector<1x128xf32>
    %add3A_489 = vector.broadcast %broadcast_in_dim3A_15 : vector<128x1xf32> to vector<128x128xf32>
    %add3A_490 = vector.broadcast %slice3A_488 : vector<1x128xf32> to vector<128x128xf32>
    %add3A_491 = arith.addf %add3A_489, %add3A_490 : vector<128x128xf32>
    %slice3A_492 = vector.extract_strided_slice %dot_general3A_16 {offsets = [0, 5248], sizes = [128, 128], strides = [1, 1]} : vector<128x8192xf32> to vector<128x128xf32>
    %sub3A_493 = arith.subf %add3A_491, %slice3A_492 : vector<128x128xf32>
    %lt3A_494 = arith.cmpf olt, %sub3A_493, %select_n3A_484 : vector<128x128xf32>
    %select_n3A_495 = arith.select %lt3A_494, %sub3A_493, %select_n3A_484 : vector<128x128xi1>, vector<128x128xf32>
    %jit3A_496 = arith.constant 9.000000e+00 : f32
    %broadcast_in_dim3A_497 = vector.broadcast %jit3A_496 : f32 to vector<128x128xf32>
    %select_n3A_498 = arith.select %lt3A_494, %broadcast_in_dim3A_497, %select_n3A_487 : vector<128x128xi1>, vector<128x128xf32>
    %slice3A_499 = vector.extract_strided_slice %get3A_2 {offsets = [0, 5376], sizes = [1, 128], strides = [1, 1]} : vector<1x8192xf32> to vector<1x128xf32>
    %add3A_500 = vector.broadcast %broadcast_in_dim3A_15 : vector<128x1xf32> to vector<128x128xf32>
    %add3A_501 = vector.broadcast %slice3A_499 : vector<1x128xf32> to vector<128x128xf32>
    %add3A_502 = arith.addf %add3A_500, %add3A_501 : vector<128x128xf32>
    %slice3A_503 = vector.extract_strided_slice %dot_general3A_16 {offsets = [0, 5376], sizes = [128, 128], strides = [1, 1]} : vector<128x8192xf32> to vector<128x128xf32>
    %sub3A_504 = arith.subf %add3A_502, %slice3A_503 : vector<128x128xf32>
    %lt3A_505 = arith.cmpf olt, %sub3A_504, %select_n3A_495 : vector<128x128xf32>
    %select_n3A_506 = arith.select %lt3A_505, %sub3A_504, %select_n3A_495 : vector<128x128xi1>, vector<128x128xf32>
    %jit3A_507 = arith.constant 1.000000e+01 : f32
    %broadcast_in_dim3A_508 = vector.broadcast %jit3A_507 : f32 to vector<128x128xf32>
    %select_n3A_509 = arith.select %lt3A_505, %broadcast_in_dim3A_508, %select_n3A_498 : vector<128x128xi1>, vector<128x128xf32>
    %slice3A_510 = vector.extract_strided_slice %get3A_2 {offsets = [0, 5504], sizes = [1, 128], strides = [1, 1]} : vector<1x8192xf32> to vector<1x128xf32>
    %add3A_511 = vector.broadcast %broadcast_in_dim3A_15 : vector<128x1xf32> to vector<128x128xf32>
    %add3A_512 = vector.broadcast %slice3A_510 : vector<1x128xf32> to vector<128x128xf32>
    %add3A_513 = arith.addf %add3A_511, %add3A_512 : vector<128x128xf32>
    %slice3A_514 = vector.extract_strided_slice %dot_general3A_16 {offsets = [0, 5504], sizes = [128, 128], strides = [1, 1]} : vector<128x8192xf32> to vector<128x128xf32>
    %sub3A_515 = arith.subf %add3A_513, %slice3A_514 : vector<128x128xf32>
    %lt3A_516 = arith.cmpf olt, %sub3A_515, %select_n3A_506 : vector<128x128xf32>
    %select_n3A_517 = arith.select %lt3A_516, %sub3A_515, %select_n3A_506 : vector<128x128xi1>, vector<128x128xf32>
    %jit3A_518 = arith.constant 1.100000e+01 : f32
    %broadcast_in_dim3A_519 = vector.broadcast %jit3A_518 : f32 to vector<128x128xf32>
    %select_n3A_520 = arith.select %lt3A_516, %broadcast_in_dim3A_519, %select_n3A_509 : vector<128x128xi1>, vector<128x128xf32>
    %slice3A_521 = vector.extract_strided_slice %get3A_2 {offsets = [0, 5632], sizes = [1, 128], strides = [1, 1]} : vector<1x8192xf32> to vector<1x128xf32>
    %add3A_522 = vector.broadcast %broadcast_in_dim3A_15 : vector<128x1xf32> to vector<128x128xf32>
    %add3A_523 = vector.broadcast %slice3A_521 : vector<1x128xf32> to vector<128x128xf32>
    %add3A_524 = arith.addf %add3A_522, %add3A_523 : vector<128x128xf32>
    %slice3A_525 = vector.extract_strided_slice %dot_general3A_16 {offsets = [0, 5632], sizes = [128, 128], strides = [1, 1]} : vector<128x8192xf32> to vector<128x128xf32>
    %sub3A_526 = arith.subf %add3A_524, %slice3A_525 : vector<128x128xf32>
    %lt3A_527 = arith.cmpf olt, %sub3A_526, %select_n3A_517 : vector<128x128xf32>
    %select_n3A_528 = arith.select %lt3A_527, %sub3A_526, %select_n3A_517 : vector<128x128xi1>, vector<128x128xf32>
    %jit3A_529 = arith.constant 1.200000e+01 : f32
    %broadcast_in_dim3A_530 = vector.broadcast %jit3A_529 : f32 to vector<128x128xf32>
    %select_n3A_531 = arith.select %lt3A_527, %broadcast_in_dim3A_530, %select_n3A_520 : vector<128x128xi1>, vector<128x128xf32>
    %slice3A_532 = vector.extract_strided_slice %get3A_2 {offsets = [0, 5760], sizes = [1, 128], strides = [1, 1]} : vector<1x8192xf32> to vector<1x128xf32>
    %add3A_533 = vector.broadcast %broadcast_in_dim3A_15 : vector<128x1xf32> to vector<128x128xf32>
    %add3A_534 = vector.broadcast %slice3A_532 : vector<1x128xf32> to vector<128x128xf32>
    %add3A_535 = arith.addf %add3A_533, %add3A_534 : vector<128x128xf32>
    %slice3A_536 = vector.extract_strided_slice %dot_general3A_16 {offsets = [0, 5760], sizes = [128, 128], strides = [1, 1]} : vector<128x8192xf32> to vector<128x128xf32>
    %sub3A_537 = arith.subf %add3A_535, %slice3A_536 : vector<128x128xf32>
    %lt3A_538 = arith.cmpf olt, %sub3A_537, %select_n3A_528 : vector<128x128xf32>
    %select_n3A_539 = arith.select %lt3A_538, %sub3A_537, %select_n3A_528 : vector<128x128xi1>, vector<128x128xf32>
    %jit3A_540 = arith.constant 1.300000e+01 : f32
    %broadcast_in_dim3A_541 = vector.broadcast %jit3A_540 : f32 to vector<128x128xf32>
    %select_n3A_542 = arith.select %lt3A_538, %broadcast_in_dim3A_541, %select_n3A_531 : vector<128x128xi1>, vector<128x128xf32>
    %slice3A_543 = vector.extract_strided_slice %get3A_2 {offsets = [0, 5888], sizes = [1, 128], strides = [1, 1]} : vector<1x8192xf32> to vector<1x128xf32>
    %add3A_544 = vector.broadcast %broadcast_in_dim3A_15 : vector<128x1xf32> to vector<128x128xf32>
    %add3A_545 = vector.broadcast %slice3A_543 : vector<1x128xf32> to vector<128x128xf32>
    %add3A_546 = arith.addf %add3A_544, %add3A_545 : vector<128x128xf32>
    %slice3A_547 = vector.extract_strided_slice %dot_general3A_16 {offsets = [0, 5888], sizes = [128, 128], strides = [1, 1]} : vector<128x8192xf32> to vector<128x128xf32>
    %sub3A_548 = arith.subf %add3A_546, %slice3A_547 : vector<128x128xf32>
    %lt3A_549 = arith.cmpf olt, %sub3A_548, %select_n3A_539 : vector<128x128xf32>
    %select_n3A_550 = arith.select %lt3A_549, %sub3A_548, %select_n3A_539 : vector<128x128xi1>, vector<128x128xf32>
    %jit3A_551 = arith.constant 1.400000e+01 : f32
    %broadcast_in_dim3A_552 = vector.broadcast %jit3A_551 : f32 to vector<128x128xf32>
    %select_n3A_553 = arith.select %lt3A_549, %broadcast_in_dim3A_552, %select_n3A_542 : vector<128x128xi1>, vector<128x128xf32>
    %slice3A_554 = vector.extract_strided_slice %get3A_2 {offsets = [0, 6016], sizes = [1, 128], strides = [1, 1]} : vector<1x8192xf32> to vector<1x128xf32>
    %add3A_555 = vector.broadcast %broadcast_in_dim3A_15 : vector<128x1xf32> to vector<128x128xf32>
    %add3A_556 = vector.broadcast %slice3A_554 : vector<1x128xf32> to vector<128x128xf32>
    %add3A_557 = arith.addf %add3A_555, %add3A_556 : vector<128x128xf32>
    %slice3A_558 = vector.extract_strided_slice %dot_general3A_16 {offsets = [0, 6016], sizes = [128, 128], strides = [1, 1]} : vector<128x8192xf32> to vector<128x128xf32>
    %sub3A_559 = arith.subf %add3A_557, %slice3A_558 : vector<128x128xf32>
    %lt3A_560 = arith.cmpf olt, %sub3A_559, %select_n3A_550 : vector<128x128xf32>
    %select_n3A_561 = arith.select %lt3A_560, %sub3A_559, %select_n3A_550 : vector<128x128xi1>, vector<128x128xf32>
    %jit3A_562 = arith.constant 1.500000e+01 : f32
    %broadcast_in_dim3A_563 = vector.broadcast %jit3A_562 : f32 to vector<128x128xf32>
    %select_n3A_564 = arith.select %lt3A_560, %broadcast_in_dim3A_563, %select_n3A_553 : vector<128x128xi1>, vector<128x128xf32>
    %slice3A_565 = vector.extract_strided_slice %get3A_2 {offsets = [0, 6144], sizes = [1, 128], strides = [1, 1]} : vector<1x8192xf32> to vector<1x128xf32>
    %add3A_566 = vector.broadcast %broadcast_in_dim3A_15 : vector<128x1xf32> to vector<128x128xf32>
    %add3A_567 = vector.broadcast %slice3A_565 : vector<1x128xf32> to vector<128x128xf32>
    %add3A_568 = arith.addf %add3A_566, %add3A_567 : vector<128x128xf32>
    %slice3A_569 = vector.extract_strided_slice %dot_general3A_16 {offsets = [0, 6144], sizes = [128, 128], strides = [1, 1]} : vector<128x8192xf32> to vector<128x128xf32>
    %sub3A_570 = arith.subf %add3A_568, %slice3A_569 : vector<128x128xf32>
    %lt3A_571 = arith.cmpf olt, %sub3A_570, %select_n3A_561 : vector<128x128xf32>
    %select_n3A_572 = arith.select %lt3A_571, %sub3A_570, %select_n3A_561 : vector<128x128xi1>, vector<128x128xf32>
    %jit3A_573 = arith.constant 1.600000e+01 : f32
    %broadcast_in_dim3A_574 = vector.broadcast %jit3A_573 : f32 to vector<128x128xf32>
    %select_n3A_575 = arith.select %lt3A_571, %broadcast_in_dim3A_574, %select_n3A_564 : vector<128x128xi1>, vector<128x128xf32>
    %slice3A_576 = vector.extract_strided_slice %get3A_2 {offsets = [0, 6272], sizes = [1, 128], strides = [1, 1]} : vector<1x8192xf32> to vector<1x128xf32>
    %add3A_577 = vector.broadcast %broadcast_in_dim3A_15 : vector<128x1xf32> to vector<128x128xf32>
    %add3A_578 = vector.broadcast %slice3A_576 : vector<1x128xf32> to vector<128x128xf32>
    %add3A_579 = arith.addf %add3A_577, %add3A_578 : vector<128x128xf32>
    %slice3A_580 = vector.extract_strided_slice %dot_general3A_16 {offsets = [0, 6272], sizes = [128, 128], strides = [1, 1]} : vector<128x8192xf32> to vector<128x128xf32>
    %sub3A_581 = arith.subf %add3A_579, %slice3A_580 : vector<128x128xf32>
    %lt3A_582 = arith.cmpf olt, %sub3A_581, %select_n3A_572 : vector<128x128xf32>
    %select_n3A_583 = arith.select %lt3A_582, %sub3A_581, %select_n3A_572 : vector<128x128xi1>, vector<128x128xf32>
    %jit3A_584 = arith.constant 1.700000e+01 : f32
    %broadcast_in_dim3A_585 = vector.broadcast %jit3A_584 : f32 to vector<128x128xf32>
    %select_n3A_586 = arith.select %lt3A_582, %broadcast_in_dim3A_585, %select_n3A_575 : vector<128x128xi1>, vector<128x128xf32>
    %slice3A_587 = vector.extract_strided_slice %get3A_2 {offsets = [0, 6400], sizes = [1, 128], strides = [1, 1]} : vector<1x8192xf32> to vector<1x128xf32>
    %add3A_588 = vector.broadcast %broadcast_in_dim3A_15 : vector<128x1xf32> to vector<128x128xf32>
    %add3A_589 = vector.broadcast %slice3A_587 : vector<1x128xf32> to vector<128x128xf32>
    %add3A_590 = arith.addf %add3A_588, %add3A_589 : vector<128x128xf32>
    %slice3A_591 = vector.extract_strided_slice %dot_general3A_16 {offsets = [0, 6400], sizes = [128, 128], strides = [1, 1]} : vector<128x8192xf32> to vector<128x128xf32>
    %sub3A_592 = arith.subf %add3A_590, %slice3A_591 : vector<128x128xf32>
    %lt3A_593 = arith.cmpf olt, %sub3A_592, %select_n3A_583 : vector<128x128xf32>
    %select_n3A_594 = arith.select %lt3A_593, %sub3A_592, %select_n3A_583 : vector<128x128xi1>, vector<128x128xf32>
    %jit3A_595 = arith.constant 1.800000e+01 : f32
    %broadcast_in_dim3A_596 = vector.broadcast %jit3A_595 : f32 to vector<128x128xf32>
    %select_n3A_597 = arith.select %lt3A_593, %broadcast_in_dim3A_596, %select_n3A_586 : vector<128x128xi1>, vector<128x128xf32>
    %slice3A_598 = vector.extract_strided_slice %get3A_2 {offsets = [0, 6528], sizes = [1, 128], strides = [1, 1]} : vector<1x8192xf32> to vector<1x128xf32>
    %add3A_599 = vector.broadcast %broadcast_in_dim3A_15 : vector<128x1xf32> to vector<128x128xf32>
    %add3A_600 = vector.broadcast %slice3A_598 : vector<1x128xf32> to vector<128x128xf32>
    %add3A_601 = arith.addf %add3A_599, %add3A_600 : vector<128x128xf32>
    %slice3A_602 = vector.extract_strided_slice %dot_general3A_16 {offsets = [0, 6528], sizes = [128, 128], strides = [1, 1]} : vector<128x8192xf32> to vector<128x128xf32>
    %sub3A_603 = arith.subf %add3A_601, %slice3A_602 : vector<128x128xf32>
    %lt3A_604 = arith.cmpf olt, %sub3A_603, %select_n3A_594 : vector<128x128xf32>
    %select_n3A_605 = arith.select %lt3A_604, %sub3A_603, %select_n3A_594 : vector<128x128xi1>, vector<128x128xf32>
    %jit3A_606 = arith.constant 1.900000e+01 : f32
    %broadcast_in_dim3A_607 = vector.broadcast %jit3A_606 : f32 to vector<128x128xf32>
    %select_n3A_608 = arith.select %lt3A_604, %broadcast_in_dim3A_607, %select_n3A_597 : vector<128x128xi1>, vector<128x128xf32>
    %slice3A_609 = vector.extract_strided_slice %get3A_2 {offsets = [0, 6656], sizes = [1, 128], strides = [1, 1]} : vector<1x8192xf32> to vector<1x128xf32>
    %add3A_610 = vector.broadcast %broadcast_in_dim3A_15 : vector<128x1xf32> to vector<128x128xf32>
    %add3A_611 = vector.broadcast %slice3A_609 : vector<1x128xf32> to vector<128x128xf32>
    %add3A_612 = arith.addf %add3A_610, %add3A_611 : vector<128x128xf32>
    %slice3A_613 = vector.extract_strided_slice %dot_general3A_16 {offsets = [0, 6656], sizes = [128, 128], strides = [1, 1]} : vector<128x8192xf32> to vector<128x128xf32>
    %sub3A_614 = arith.subf %add3A_612, %slice3A_613 : vector<128x128xf32>
    %lt3A_615 = arith.cmpf olt, %sub3A_614, %select_n3A_605 : vector<128x128xf32>
    %select_n3A_616 = arith.select %lt3A_615, %sub3A_614, %select_n3A_605 : vector<128x128xi1>, vector<128x128xf32>
    %jit3A_617 = arith.constant 2.000000e+01 : f32
    %broadcast_in_dim3A_618 = vector.broadcast %jit3A_617 : f32 to vector<128x128xf32>
    %select_n3A_619 = arith.select %lt3A_615, %broadcast_in_dim3A_618, %select_n3A_608 : vector<128x128xi1>, vector<128x128xf32>
    %slice3A_620 = vector.extract_strided_slice %get3A_2 {offsets = [0, 6784], sizes = [1, 128], strides = [1, 1]} : vector<1x8192xf32> to vector<1x128xf32>
    %add3A_621 = vector.broadcast %broadcast_in_dim3A_15 : vector<128x1xf32> to vector<128x128xf32>
    %add3A_622 = vector.broadcast %slice3A_620 : vector<1x128xf32> to vector<128x128xf32>
    %add3A_623 = arith.addf %add3A_621, %add3A_622 : vector<128x128xf32>
    %slice3A_624 = vector.extract_strided_slice %dot_general3A_16 {offsets = [0, 6784], sizes = [128, 128], strides = [1, 1]} : vector<128x8192xf32> to vector<128x128xf32>
    %sub3A_625 = arith.subf %add3A_623, %slice3A_624 : vector<128x128xf32>
    %lt3A_626 = arith.cmpf olt, %sub3A_625, %select_n3A_616 : vector<128x128xf32>
    %select_n3A_627 = arith.select %lt3A_626, %sub3A_625, %select_n3A_616 : vector<128x128xi1>, vector<128x128xf32>
    %jit3A_628 = arith.constant 2.100000e+01 : f32
    %broadcast_in_dim3A_629 = vector.broadcast %jit3A_628 : f32 to vector<128x128xf32>
    %select_n3A_630 = arith.select %lt3A_626, %broadcast_in_dim3A_629, %select_n3A_619 : vector<128x128xi1>, vector<128x128xf32>
    %slice3A_631 = vector.extract_strided_slice %get3A_2 {offsets = [0, 6912], sizes = [1, 128], strides = [1, 1]} : vector<1x8192xf32> to vector<1x128xf32>
    %add3A_632 = vector.broadcast %broadcast_in_dim3A_15 : vector<128x1xf32> to vector<128x128xf32>
    %add3A_633 = vector.broadcast %slice3A_631 : vector<1x128xf32> to vector<128x128xf32>
    %add3A_634 = arith.addf %add3A_632, %add3A_633 : vector<128x128xf32>
    %slice3A_635 = vector.extract_strided_slice %dot_general3A_16 {offsets = [0, 6912], sizes = [128, 128], strides = [1, 1]} : vector<128x8192xf32> to vector<128x128xf32>
    %sub3A_636 = arith.subf %add3A_634, %slice3A_635 : vector<128x128xf32>
    %lt3A_637 = arith.cmpf olt, %sub3A_636, %select_n3A_627 : vector<128x128xf32>
    %select_n3A_638 = arith.select %lt3A_637, %sub3A_636, %select_n3A_627 : vector<128x128xi1>, vector<128x128xf32>
    %jit3A_639 = arith.constant 2.200000e+01 : f32
    %broadcast_in_dim3A_640 = vector.broadcast %jit3A_639 : f32 to vector<128x128xf32>
    %select_n3A_641 = arith.select %lt3A_637, %broadcast_in_dim3A_640, %select_n3A_630 : vector<128x128xi1>, vector<128x128xf32>
    %slice3A_642 = vector.extract_strided_slice %get3A_2 {offsets = [0, 7040], sizes = [1, 128], strides = [1, 1]} : vector<1x8192xf32> to vector<1x128xf32>
    %add3A_643 = vector.broadcast %broadcast_in_dim3A_15 : vector<128x1xf32> to vector<128x128xf32>
    %add3A_644 = vector.broadcast %slice3A_642 : vector<1x128xf32> to vector<128x128xf32>
    %add3A_645 = arith.addf %add3A_643, %add3A_644 : vector<128x128xf32>
    %slice3A_646 = vector.extract_strided_slice %dot_general3A_16 {offsets = [0, 7040], sizes = [128, 128], strides = [1, 1]} : vector<128x8192xf32> to vector<128x128xf32>
    %sub3A_647 = arith.subf %add3A_645, %slice3A_646 : vector<128x128xf32>
    %lt3A_648 = arith.cmpf olt, %sub3A_647, %select_n3A_638 : vector<128x128xf32>
    %select_n3A_649 = arith.select %lt3A_648, %sub3A_647, %select_n3A_638 : vector<128x128xi1>, vector<128x128xf32>
    %jit3A_650 = arith.constant 2.300000e+01 : f32
    %broadcast_in_dim3A_651 = vector.broadcast %jit3A_650 : f32 to vector<128x128xf32>
    %select_n3A_652 = arith.select %lt3A_648, %broadcast_in_dim3A_651, %select_n3A_641 : vector<128x128xi1>, vector<128x128xf32>
    %slice3A_653 = vector.extract_strided_slice %get3A_2 {offsets = [0, 7168], sizes = [1, 128], strides = [1, 1]} : vector<1x8192xf32> to vector<1x128xf32>
    %add3A_654 = vector.broadcast %broadcast_in_dim3A_15 : vector<128x1xf32> to vector<128x128xf32>
    %add3A_655 = vector.broadcast %slice3A_653 : vector<1x128xf32> to vector<128x128xf32>
    %add3A_656 = arith.addf %add3A_654, %add3A_655 : vector<128x128xf32>
    %slice3A_657 = vector.extract_strided_slice %dot_general3A_16 {offsets = [0, 7168], sizes = [128, 128], strides = [1, 1]} : vector<128x8192xf32> to vector<128x128xf32>
    %sub3A_658 = arith.subf %add3A_656, %slice3A_657 : vector<128x128xf32>
    %lt3A_659 = arith.cmpf olt, %sub3A_658, %select_n3A_649 : vector<128x128xf32>
    %select_n3A_660 = arith.select %lt3A_659, %sub3A_658, %select_n3A_649 : vector<128x128xi1>, vector<128x128xf32>
    %jit3A_661 = arith.constant 2.400000e+01 : f32
    %broadcast_in_dim3A_662 = vector.broadcast %jit3A_661 : f32 to vector<128x128xf32>
    %select_n3A_663 = arith.select %lt3A_659, %broadcast_in_dim3A_662, %select_n3A_652 : vector<128x128xi1>, vector<128x128xf32>
    %slice3A_664 = vector.extract_strided_slice %get3A_2 {offsets = [0, 7296], sizes = [1, 128], strides = [1, 1]} : vector<1x8192xf32> to vector<1x128xf32>
    %add3A_665 = vector.broadcast %broadcast_in_dim3A_15 : vector<128x1xf32> to vector<128x128xf32>
    %add3A_666 = vector.broadcast %slice3A_664 : vector<1x128xf32> to vector<128x128xf32>
    %add3A_667 = arith.addf %add3A_665, %add3A_666 : vector<128x128xf32>
    %slice3A_668 = vector.extract_strided_slice %dot_general3A_16 {offsets = [0, 7296], sizes = [128, 128], strides = [1, 1]} : vector<128x8192xf32> to vector<128x128xf32>
    %sub3A_669 = arith.subf %add3A_667, %slice3A_668 : vector<128x128xf32>
    %lt3A_670 = arith.cmpf olt, %sub3A_669, %select_n3A_660 : vector<128x128xf32>
    %select_n3A_671 = arith.select %lt3A_670, %sub3A_669, %select_n3A_660 : vector<128x128xi1>, vector<128x128xf32>
    %jit3A_672 = arith.constant 2.500000e+01 : f32
    %broadcast_in_dim3A_673 = vector.broadcast %jit3A_672 : f32 to vector<128x128xf32>
    %select_n3A_674 = arith.select %lt3A_670, %broadcast_in_dim3A_673, %select_n3A_663 : vector<128x128xi1>, vector<128x128xf32>
    %slice3A_675 = vector.extract_strided_slice %get3A_2 {offsets = [0, 7424], sizes = [1, 128], strides = [1, 1]} : vector<1x8192xf32> to vector<1x128xf32>
    %add3A_676 = vector.broadcast %broadcast_in_dim3A_15 : vector<128x1xf32> to vector<128x128xf32>
    %add3A_677 = vector.broadcast %slice3A_675 : vector<1x128xf32> to vector<128x128xf32>
    %add3A_678 = arith.addf %add3A_676, %add3A_677 : vector<128x128xf32>
    %slice3A_679 = vector.extract_strided_slice %dot_general3A_16 {offsets = [0, 7424], sizes = [128, 128], strides = [1, 1]} : vector<128x8192xf32> to vector<128x128xf32>
    %sub3A_680 = arith.subf %add3A_678, %slice3A_679 : vector<128x128xf32>
    %lt3A_681 = arith.cmpf olt, %sub3A_680, %select_n3A_671 : vector<128x128xf32>
    %select_n3A_682 = arith.select %lt3A_681, %sub3A_680, %select_n3A_671 : vector<128x128xi1>, vector<128x128xf32>
    %jit3A_683 = arith.constant 2.600000e+01 : f32
    %broadcast_in_dim3A_684 = vector.broadcast %jit3A_683 : f32 to vector<128x128xf32>
    %select_n3A_685 = arith.select %lt3A_681, %broadcast_in_dim3A_684, %select_n3A_674 : vector<128x128xi1>, vector<128x128xf32>
    %slice3A_686 = vector.extract_strided_slice %get3A_2 {offsets = [0, 7552], sizes = [1, 128], strides = [1, 1]} : vector<1x8192xf32> to vector<1x128xf32>
    %add3A_687 = vector.broadcast %broadcast_in_dim3A_15 : vector<128x1xf32> to vector<128x128xf32>
    %add3A_688 = vector.broadcast %slice3A_686 : vector<1x128xf32> to vector<128x128xf32>
    %add3A_689 = arith.addf %add3A_687, %add3A_688 : vector<128x128xf32>
    %slice3A_690 = vector.extract_strided_slice %dot_general3A_16 {offsets = [0, 7552], sizes = [128, 128], strides = [1, 1]} : vector<128x8192xf32> to vector<128x128xf32>
    %sub3A_691 = arith.subf %add3A_689, %slice3A_690 : vector<128x128xf32>
    %lt3A_692 = arith.cmpf olt, %sub3A_691, %select_n3A_682 : vector<128x128xf32>
    %select_n3A_693 = arith.select %lt3A_692, %sub3A_691, %select_n3A_682 : vector<128x128xi1>, vector<128x128xf32>
    %jit3A_694 = arith.constant 2.700000e+01 : f32
    %broadcast_in_dim3A_695 = vector.broadcast %jit3A_694 : f32 to vector<128x128xf32>
    %select_n3A_696 = arith.select %lt3A_692, %broadcast_in_dim3A_695, %select_n3A_685 : vector<128x128xi1>, vector<128x128xf32>
    %slice3A_697 = vector.extract_strided_slice %get3A_2 {offsets = [0, 7680], sizes = [1, 128], strides = [1, 1]} : vector<1x8192xf32> to vector<1x128xf32>
    %add3A_698 = vector.broadcast %broadcast_in_dim3A_15 : vector<128x1xf32> to vector<128x128xf32>
    %add3A_699 = vector.broadcast %slice3A_697 : vector<1x128xf32> to vector<128x128xf32>
    %add3A_700 = arith.addf %add3A_698, %add3A_699 : vector<128x128xf32>
    %slice3A_701 = vector.extract_strided_slice %dot_general3A_16 {offsets = [0, 7680], sizes = [128, 128], strides = [1, 1]} : vector<128x8192xf32> to vector<128x128xf32>
    %sub3A_702 = arith.subf %add3A_700, %slice3A_701 : vector<128x128xf32>
    %lt3A_703 = arith.cmpf olt, %sub3A_702, %select_n3A_693 : vector<128x128xf32>
    %select_n3A_704 = arith.select %lt3A_703, %sub3A_702, %select_n3A_693 : vector<128x128xi1>, vector<128x128xf32>
    %jit3A_705 = arith.constant 2.800000e+01 : f32
    %broadcast_in_dim3A_706 = vector.broadcast %jit3A_705 : f32 to vector<128x128xf32>
    %select_n3A_707 = arith.select %lt3A_703, %broadcast_in_dim3A_706, %select_n3A_696 : vector<128x128xi1>, vector<128x128xf32>
    %slice3A_708 = vector.extract_strided_slice %get3A_2 {offsets = [0, 7808], sizes = [1, 128], strides = [1, 1]} : vector<1x8192xf32> to vector<1x128xf32>
    %add3A_709 = vector.broadcast %broadcast_in_dim3A_15 : vector<128x1xf32> to vector<128x128xf32>
    %add3A_710 = vector.broadcast %slice3A_708 : vector<1x128xf32> to vector<128x128xf32>
    %add3A_711 = arith.addf %add3A_709, %add3A_710 : vector<128x128xf32>
    %slice3A_712 = vector.extract_strided_slice %dot_general3A_16 {offsets = [0, 7808], sizes = [128, 128], strides = [1, 1]} : vector<128x8192xf32> to vector<128x128xf32>
    %sub3A_713 = arith.subf %add3A_711, %slice3A_712 : vector<128x128xf32>
    %lt3A_714 = arith.cmpf olt, %sub3A_713, %select_n3A_704 : vector<128x128xf32>
    %select_n3A_715 = arith.select %lt3A_714, %sub3A_713, %select_n3A_704 : vector<128x128xi1>, vector<128x128xf32>
    %jit3A_716 = arith.constant 2.900000e+01 : f32
    %broadcast_in_dim3A_717 = vector.broadcast %jit3A_716 : f32 to vector<128x128xf32>
    %select_n3A_718 = arith.select %lt3A_714, %broadcast_in_dim3A_717, %select_n3A_707 : vector<128x128xi1>, vector<128x128xf32>
    %slice3A_719 = vector.extract_strided_slice %get3A_2 {offsets = [0, 7936], sizes = [1, 128], strides = [1, 1]} : vector<1x8192xf32> to vector<1x128xf32>
    %add3A_720 = vector.broadcast %broadcast_in_dim3A_15 : vector<128x1xf32> to vector<128x128xf32>
    %add3A_721 = vector.broadcast %slice3A_719 : vector<1x128xf32> to vector<128x128xf32>
    %add3A_722 = arith.addf %add3A_720, %add3A_721 : vector<128x128xf32>
    %slice3A_723 = vector.extract_strided_slice %dot_general3A_16 {offsets = [0, 7936], sizes = [128, 128], strides = [1, 1]} : vector<128x8192xf32> to vector<128x128xf32>
    %sub3A_724 = arith.subf %add3A_722, %slice3A_723 : vector<128x128xf32>
    %lt3A_725 = arith.cmpf olt, %sub3A_724, %select_n3A_715 : vector<128x128xf32>
    %select_n3A_726 = arith.select %lt3A_725, %sub3A_724, %select_n3A_715 : vector<128x128xi1>, vector<128x128xf32>
    %jit3A_727 = arith.constant 3.000000e+01 : f32
    %broadcast_in_dim3A_728 = vector.broadcast %jit3A_727 : f32 to vector<128x128xf32>
    %select_n3A_729 = arith.select %lt3A_725, %broadcast_in_dim3A_728, %select_n3A_718 : vector<128x128xi1>, vector<128x128xf32>
    %slice3A_730 = vector.extract_strided_slice %get3A_2 {offsets = [0, 8064], sizes = [1, 128], strides = [1, 1]} : vector<1x8192xf32> to vector<1x128xf32>
    %add3A_731 = vector.broadcast %broadcast_in_dim3A_15 : vector<128x1xf32> to vector<128x128xf32>
    %add3A_732 = vector.broadcast %slice3A_730 : vector<1x128xf32> to vector<128x128xf32>
    %add3A_733 = arith.addf %add3A_731, %add3A_732 : vector<128x128xf32>
    %slice3A_734 = vector.extract_strided_slice %dot_general3A_16 {offsets = [0, 8064], sizes = [128, 128], strides = [1, 1]} : vector<128x8192xf32> to vector<128x128xf32>
    %sub3A_735 = arith.subf %add3A_733, %slice3A_734 : vector<128x128xf32>
    %lt3A_736 = arith.cmpf olt, %sub3A_735, %select_n3A_726 : vector<128x128xf32>
    %select_n3A_737 = arith.select %lt3A_736, %sub3A_735, %select_n3A_726 : vector<128x128xi1>, vector<128x128xf32>
    %jit3A_738 = arith.constant 3.100000e+01 : f32
    %broadcast_in_dim3A_739 = vector.broadcast %jit3A_738 : f32 to vector<128x128xf32>
    %select_n3A_740 = arith.select %lt3A_736, %broadcast_in_dim3A_739, %select_n3A_729 : vector<128x128xi1>, vector<128x128xf32>
    %iota3A_741 = tpu.iota {dimensions = array<i32: 1>} : vector<128x128xi32>
    %convert_element_type3A_742 = arith.sitofp %iota3A_741 : vector<128x128xi32> to vector<128x128xf32>
    %mul3A_743 = arith.constant 1.280000e+02 : f32
    %mul3A_744 = vector.broadcast %mul3A_743 : f32 to vector<128x128xf32>
    %mul3A_745 = arith.mulf %select_n3A_740, %mul3A_744 : vector<128x128xf32>
    %add3A_746 = arith.addf %mul3A_745, %convert_element_type3A_742 : vector<128x128xf32>
    %add3A_747 = arith.constant 4.096000e+03 : f32
    %add3A_748 = vector.broadcast %add3A_747 : f32 to vector<128x128xf32>
    %add3A_749 = arith.addf %add3A_746, %add3A_748 : vector<128x128xf32>
    %reduce_min3A_750 = arith.constant dense<0x7F800000> : vector<128xf32>
    %reduce_min3A_751 = vector.multi_reduction <minimumf>, %select_n3A_737, %reduce_min3A_750 [1] : vector<128x128xf32> to vector<128xf32>
    %broadcast_in_dim3A_752 = vector.shape_cast %reduce_min3A_751 : vector<128xf32> to vector<128x1xf32>
    %eq3A_753 = vector.broadcast %broadcast_in_dim3A_752 : vector<128x1xf32> to vector<128x128xf32>
    %eq3A_754 = arith.cmpf oeq, %select_n3A_737, %eq3A_753 : vector<128x128xf32>
    %jit3A_755 = arith.constant 8.192000e+03 : f32
    %broadcast_in_dim3A_756 = vector.broadcast %jit3A_755 : f32 to vector<128x128xf32>
    %select_n3A_757 = arith.select %eq3A_754, %add3A_749, %broadcast_in_dim3A_756 : vector<128x128xi1>, vector<128x128xf32>
    %reduce_min3A_758 = arith.constant dense<0x7F800000> : vector<128xf32>
    %reduce_min3A_759 = vector.multi_reduction <minimumf>, %select_n3A_757, %reduce_min3A_758 [1] : vector<128x128xf32> to vector<128xf32>
    %broadcast_in_dim3A_760 = vector.shape_cast %reduce_min3A_759 : vector<128xf32> to vector<128x1xf32>
    %convert_element_type3A_761 = arith.truncf %broadcast_in_dim3A_376 : vector<128x1xf32> to vector<128x1xbf16>
    %convert_element_type3A_762 = arith.extf %convert_element_type3A_761 : vector<128x1xbf16> to vector<128x1xf32>
    %lt3A_763 = arith.cmpf olt, %broadcast_in_dim3A_752, %convert_element_type3A_762 : vector<128x1xf32>
    %select_n3A_764 = arith.select %lt3A_763, %broadcast_in_dim3A_760, %broadcast_in_dim3A_384 : vector<128x1xi1>, vector<128x1xf32>
    %convert_element_type3A_765 = arith.fptosi %select_n3A_764 : vector<128x1xf32> to vector<128x1xi32>
    %select_n3A_766 = arith.select %lt3A_763, %broadcast_in_dim3A_752, %broadcast_in_dim3A_376 : vector<128x1xi1>, vector<128x1xf32>
    %reduce_sum3A_767 = vector.shape_cast %select_n3A_766 : vector<128x1xf32> to vector<1x128x1xf32>
    %reduce_sum3A_768 = arith.constant dense<0.000000e+00> : vector<1xf32>
    %reduce_sum3A_769 = vector.multi_reduction <add>, %reduce_sum3A_767, %reduce_sum3A_768 [1, 2] : vector<1x128x1xf32> to vector<1xf32>
    %reduce_sum3A_770 = vector.shape_cast %reduce_sum3A_769 : vector<1xf32> to vector<1x1x1xf32>
    %reduce_sum3A_771 = vector.extract %reduce_sum3A_770[0, 0, 0] : f32 from vector<1x1x1xf32>
    %broadcast_in_dim3A_772 = vector.broadcast %reduce_sum3A_771 : f32 to vector<1x1xf32>
    %reshape3A = vector.shape_cast %convert_element_type3A_765 : vector<128x1xi32> to vector<1x128xi32>
    %swap3A = arith.constant 0 : index
    %swap3A_773 = arith.constant 0 : index
    %swap3A_774 = arith.constant 0 : index
    %swap3A_775 = arith.constant 0 : index
    %swap3A_776 = vector.load %arg4[%swap3A, %swap3A_773, %swap3A_774, %swap3A_775] : memref<1x2x1x128xi32, #tpu.memory_space<vmem>>, vector<1x1x1x128xi32>
    %swap3A_777 = vector.shape_cast %swap3A_776 : vector<1x1x1x128xi32> to vector<1x128xi32>
    %swap3A_778 = vector.shape_cast %reshape3A : vector<1x128xi32> to vector<1x1x1x128xi32>
    tpu.vector_store %arg4[%swap3A, %swap3A_773, %swap3A_774, %swap3A_775], %swap3A_778 {strides = array<i32>} : memref<1x2x1x128xi32, #tpu.memory_space<vmem>>, vector<1x1x1x128xi32>,
    %add3A_779 = arith.addf %broadcast_in_dim3A_6, %broadcast_in_dim3A_772 : vector<1x1xf32>
    %get3A_780 = arith.constant 128 : index
    %get3A_781 = arith.constant 0 : index
    %get3A_782 = vector.load %arg2[%get3A_780, %get3A_781] : memref<256x32xf32, #tpu.memory_space<vmem>>, vector<128x32xf32>
    %mul3A_783 = arith.constant 2.000000e+00 : f32
    %mul3A_784 = vector.broadcast %mul3A_783 : f32 to vector<128x32xf32>
    %mul3A_785 = arith.mulf %mul3A_784, %get3A_782 : vector<128x32xf32>
    %convert_element_type3A_786 = arith.truncf %mul3A_785 : vector<128x32xf32> to vector<128x32xbf16>
    %convert_element_type3A_787 = arith.extf %convert_element_type3A_786 : vector<128x32xbf16> to vector<128x32xf32>
    %mul3A_788 = arith.mulf %get3A_782, %get3A_782 : vector<128x32xf32>
    %reduce_sum3A_789 = arith.constant dense<0.000000e+00> : vector<128xf32>
    %reduce_sum3A_790 = vector.multi_reduction <add>, %mul3A_788, %reduce_sum3A_789 [1] : vector<128x32xf32> to vector<128xf32>
    %broadcast_in_dim3A_791 = vector.shape_cast %reduce_sum3A_790 : vector<128xf32> to vector<128x1xf32>
    %dot_general3A_792 = arith.constant dense<0.000000e+00> : vector<128x8192xf32>
    %dot_general3A_793 = tpu.matmul %convert_element_type3A_787, %get3A_5, %dot_general3A_792 {dimension_numbers = #tpu.dot_dimension_numbers<[1], [1], [0], [0], [0, 0, 1, 0], [], []>, transpose_lhs_hint = false} : vector<128x32xf32>, vector<8192x32xf32>, vector<128x8192xf32> -> vector<128x8192xf32>
    %broadcast_in_dim3A_794 = arith.constant 0x7F800000 : f32
    %broadcast_in_dim3A_795 = vector.broadcast %broadcast_in_dim3A_794 : f32 to vector<128x128xf32>
    %broadcast_in_dim3A_796 = arith.constant 0.000000e+00 : f32
    %broadcast_in_dim3A_797 = vector.broadcast %broadcast_in_dim3A_796 : f32 to vector<128x128xf32>
    %slice3A_798 = vector.extract_strided_slice %get3A_2 {offsets = [0, 0], sizes = [1, 128], strides = [1, 1]} : vector<1x8192xf32> to vector<1x128xf32>
    %add3A_799 = vector.broadcast %broadcast_in_dim3A_791 : vector<128x1xf32> to vector<128x128xf32>
    %add3A_800 = vector.broadcast %slice3A_798 : vector<1x128xf32> to vector<128x128xf32>
    %add3A_801 = arith.addf %add3A_799, %add3A_800 : vector<128x128xf32>
    %slice3A_802 = vector.extract_strided_slice %dot_general3A_793 {offsets = [0, 0], sizes = [128, 128], strides = [1, 1]} : vector<128x8192xf32> to vector<128x128xf32>
    %sub3A_803 = arith.subf %add3A_801, %slice3A_802 : vector<128x128xf32>
    %lt3A_804 = arith.cmpf olt, %sub3A_803, %broadcast_in_dim3A_795 : vector<128x128xf32>
    %select_n3A_805 = arith.select %lt3A_804, %sub3A_803, %broadcast_in_dim3A_795 : vector<128x128xi1>, vector<128x128xf32>
    %jit3A_806 = arith.constant 0.000000e+00 : f32
    %broadcast_in_dim3A_807 = vector.broadcast %jit3A_806 : f32 to vector<128x128xf32>
    %select_n3A_808 = arith.select %lt3A_804, %broadcast_in_dim3A_807, %broadcast_in_dim3A_797 : vector<128x128xi1>, vector<128x128xf32>
    %slice3A_809 = vector.extract_strided_slice %get3A_2 {offsets = [0, 128], sizes = [1, 128], strides = [1, 1]} : vector<1x8192xf32> to vector<1x128xf32>
    %add3A_810 = vector.broadcast %broadcast_in_dim3A_791 : vector<128x1xf32> to vector<128x128xf32>
    %add3A_811 = vector.broadcast %slice3A_809 : vector<1x128xf32> to vector<128x128xf32>
    %add3A_812 = arith.addf %add3A_810, %add3A_811 : vector<128x128xf32>
    %slice3A_813 = vector.extract_strided_slice %dot_general3A_793 {offsets = [0, 128], sizes = [128, 128], strides = [1, 1]} : vector<128x8192xf32> to vector<128x128xf32>
    %sub3A_814 = arith.subf %add3A_812, %slice3A_813 : vector<128x128xf32>
    %lt3A_815 = arith.cmpf olt, %sub3A_814, %select_n3A_805 : vector<128x128xf32>
    %select_n3A_816 = arith.select %lt3A_815, %sub3A_814, %select_n3A_805 : vector<128x128xi1>, vector<128x128xf32>
    %jit3A_817 = arith.constant 1.000000e+00 : f32
    %broadcast_in_dim3A_818 = vector.broadcast %jit3A_817 : f32 to vector<128x128xf32>
    %select_n3A_819 = arith.select %lt3A_815, %broadcast_in_dim3A_818, %select_n3A_808 : vector<128x128xi1>, vector<128x128xf32>
    %slice3A_820 = vector.extract_strided_slice %get3A_2 {offsets = [0, 256], sizes = [1, 128], strides = [1, 1]} : vector<1x8192xf32> to vector<1x128xf32>
    %add3A_821 = vector.broadcast %broadcast_in_dim3A_791 : vector<128x1xf32> to vector<128x128xf32>
    %add3A_822 = vector.broadcast %slice3A_820 : vector<1x128xf32> to vector<128x128xf32>
    %add3A_823 = arith.addf %add3A_821, %add3A_822 : vector<128x128xf32>
    %slice3A_824 = vector.extract_strided_slice %dot_general3A_793 {offsets = [0, 256], sizes = [128, 128], strides = [1, 1]} : vector<128x8192xf32> to vector<128x128xf32>
    %sub3A_825 = arith.subf %add3A_823, %slice3A_824 : vector<128x128xf32>
    %lt3A_826 = arith.cmpf olt, %sub3A_825, %select_n3A_816 : vector<128x128xf32>
    %select_n3A_827 = arith.select %lt3A_826, %sub3A_825, %select_n3A_816 : vector<128x128xi1>, vector<128x128xf32>
    %jit3A_828 = arith.constant 2.000000e+00 : f32
    %broadcast_in_dim3A_829 = vector.broadcast %jit3A_828 : f32 to vector<128x128xf32>
    %select_n3A_830 = arith.select %lt3A_826, %broadcast_in_dim3A_829, %select_n3A_819 : vector<128x128xi1>, vector<128x128xf32>
    %slice3A_831 = vector.extract_strided_slice %get3A_2 {offsets = [0, 384], sizes = [1, 128], strides = [1, 1]} : vector<1x8192xf32> to vector<1x128xf32>
    %add3A_832 = vector.broadcast %broadcast_in_dim3A_791 : vector<128x1xf32> to vector<128x128xf32>
    %add3A_833 = vector.broadcast %slice3A_831 : vector<1x128xf32> to vector<128x128xf32>
    %add3A_834 = arith.addf %add3A_832, %add3A_833 : vector<128x128xf32>
    %slice3A_835 = vector.extract_strided_slice %dot_general3A_793 {offsets = [0, 384], sizes = [128, 128], strides = [1, 1]} : vector<128x8192xf32> to vector<128x128xf32>
    %sub3A_836 = arith.subf %add3A_834, %slice3A_835 : vector<128x128xf32>
    %lt3A_837 = arith.cmpf olt, %sub3A_836, %select_n3A_827 : vector<128x128xf32>
    %select_n3A_838 = arith.select %lt3A_837, %sub3A_836, %select_n3A_827 : vector<128x128xi1>, vector<128x128xf32>
    %jit3A_839 = arith.constant 3.000000e+00 : f32
    %broadcast_in_dim3A_840 = vector.broadcast %jit3A_839 : f32 to vector<128x128xf32>
    %select_n3A_841 = arith.select %lt3A_837, %broadcast_in_dim3A_840, %select_n3A_830 : vector<128x128xi1>, vector<128x128xf32>
    %slice3A_842 = vector.extract_strided_slice %get3A_2 {offsets = [0, 512], sizes = [1, 128], strides = [1, 1]} : vector<1x8192xf32> to vector<1x128xf32>
    %add3A_843 = vector.broadcast %broadcast_in_dim3A_791 : vector<128x1xf32> to vector<128x128xf32>
    %add3A_844 = vector.broadcast %slice3A_842 : vector<1x128xf32> to vector<128x128xf32>
    %add3A_845 = arith.addf %add3A_843, %add3A_844 : vector<128x128xf32>
    %slice3A_846 = vector.extract_strided_slice %dot_general3A_793 {offsets = [0, 512], sizes = [128, 128], strides = [1, 1]} : vector<128x8192xf32> to vector<128x128xf32>
    %sub3A_847 = arith.subf %add3A_845, %slice3A_846 : vector<128x128xf32>
    %lt3A_848 = arith.cmpf olt, %sub3A_847, %select_n3A_838 : vector<128x128xf32>
    %select_n3A_849 = arith.select %lt3A_848, %sub3A_847, %select_n3A_838 : vector<128x128xi1>, vector<128x128xf32>
    %jit3A_850 = arith.constant 4.000000e+00 : f32
    %broadcast_in_dim3A_851 = vector.broadcast %jit3A_850 : f32 to vector<128x128xf32>
    %select_n3A_852 = arith.select %lt3A_848, %broadcast_in_dim3A_851, %select_n3A_841 : vector<128x128xi1>, vector<128x128xf32>
    %slice3A_853 = vector.extract_strided_slice %get3A_2 {offsets = [0, 640], sizes = [1, 128], strides = [1, 1]} : vector<1x8192xf32> to vector<1x128xf32>
    %add3A_854 = vector.broadcast %broadcast_in_dim3A_791 : vector<128x1xf32> to vector<128x128xf32>
    %add3A_855 = vector.broadcast %slice3A_853 : vector<1x128xf32> to vector<128x128xf32>
    %add3A_856 = arith.addf %add3A_854, %add3A_855 : vector<128x128xf32>
    %slice3A_857 = vector.extract_strided_slice %dot_general3A_793 {offsets = [0, 640], sizes = [128, 128], strides = [1, 1]} : vector<128x8192xf32> to vector<128x128xf32>
    %sub3A_858 = arith.subf %add3A_856, %slice3A_857 : vector<128x128xf32>
    %lt3A_859 = arith.cmpf olt, %sub3A_858, %select_n3A_849 : vector<128x128xf32>
    %select_n3A_860 = arith.select %lt3A_859, %sub3A_858, %select_n3A_849 : vector<128x128xi1>, vector<128x128xf32>
    %jit3A_861 = arith.constant 5.000000e+00 : f32
    %broadcast_in_dim3A_862 = vector.broadcast %jit3A_861 : f32 to vector<128x128xf32>
    %select_n3A_863 = arith.select %lt3A_859, %broadcast_in_dim3A_862, %select_n3A_852 : vector<128x128xi1>, vector<128x128xf32>
    %slice3A_864 = vector.extract_strided_slice %get3A_2 {offsets = [0, 768], sizes = [1, 128], strides = [1, 1]} : vector<1x8192xf32> to vector<1x128xf32>
    %add3A_865 = vector.broadcast %broadcast_in_dim3A_791 : vector<128x1xf32> to vector<128x128xf32>
    %add3A_866 = vector.broadcast %slice3A_864 : vector<1x128xf32> to vector<128x128xf32>
    %add3A_867 = arith.addf %add3A_865, %add3A_866 : vector<128x128xf32>
    %slice3A_868 = vector.extract_strided_slice %dot_general3A_793 {offsets = [0, 768], sizes = [128, 128], strides = [1, 1]} : vector<128x8192xf32> to vector<128x128xf32>
    %sub3A_869 = arith.subf %add3A_867, %slice3A_868 : vector<128x128xf32>
    %lt3A_870 = arith.cmpf olt, %sub3A_869, %select_n3A_860 : vector<128x128xf32>
    %select_n3A_871 = arith.select %lt3A_870, %sub3A_869, %select_n3A_860 : vector<128x128xi1>, vector<128x128xf32>
    %jit3A_872 = arith.constant 6.000000e+00 : f32
    %broadcast_in_dim3A_873 = vector.broadcast %jit3A_872 : f32 to vector<128x128xf32>
    %select_n3A_874 = arith.select %lt3A_870, %broadcast_in_dim3A_873, %select_n3A_863 : vector<128x128xi1>, vector<128x128xf32>
    %slice3A_875 = vector.extract_strided_slice %get3A_2 {offsets = [0, 896], sizes = [1, 128], strides = [1, 1]} : vector<1x8192xf32> to vector<1x128xf32>
    %add3A_876 = vector.broadcast %broadcast_in_dim3A_791 : vector<128x1xf32> to vector<128x128xf32>
    %add3A_877 = vector.broadcast %slice3A_875 : vector<1x128xf32> to vector<128x128xf32>
    %add3A_878 = arith.addf %add3A_876, %add3A_877 : vector<128x128xf32>
    %slice3A_879 = vector.extract_strided_slice %dot_general3A_793 {offsets = [0, 896], sizes = [128, 128], strides = [1, 1]} : vector<128x8192xf32> to vector<128x128xf32>
    %sub3A_880 = arith.subf %add3A_878, %slice3A_879 : vector<128x128xf32>
    %lt3A_881 = arith.cmpf olt, %sub3A_880, %select_n3A_871 : vector<128x128xf32>
    %select_n3A_882 = arith.select %lt3A_881, %sub3A_880, %select_n3A_871 : vector<128x128xi1>, vector<128x128xf32>
    %jit3A_883 = arith.constant 7.000000e+00 : f32
    %broadcast_in_dim3A_884 = vector.broadcast %jit3A_883 : f32 to vector<128x128xf32>
    %select_n3A_885 = arith.select %lt3A_881, %broadcast_in_dim3A_884, %select_n3A_874 : vector<128x128xi1>, vector<128x128xf32>
    %slice3A_886 = vector.extract_strided_slice %get3A_2 {offsets = [0, 1024], sizes = [1, 128], strides = [1, 1]} : vector<1x8192xf32> to vector<1x128xf32>
    %add3A_887 = vector.broadcast %broadcast_in_dim3A_791 : vector<128x1xf32> to vector<128x128xf32>
    %add3A_888 = vector.broadcast %slice3A_886 : vector<1x128xf32> to vector<128x128xf32>
    %add3A_889 = arith.addf %add3A_887, %add3A_888 : vector<128x128xf32>
    %slice3A_890 = vector.extract_strided_slice %dot_general3A_793 {offsets = [0, 1024], sizes = [128, 128], strides = [1, 1]} : vector<128x8192xf32> to vector<128x128xf32>
    %sub3A_891 = arith.subf %add3A_889, %slice3A_890 : vector<128x128xf32>
    %lt3A_892 = arith.cmpf olt, %sub3A_891, %select_n3A_882 : vector<128x128xf32>
    %select_n3A_893 = arith.select %lt3A_892, %sub3A_891, %select_n3A_882 : vector<128x128xi1>, vector<128x128xf32>
    %jit3A_894 = arith.constant 8.000000e+00 : f32
    %broadcast_in_dim3A_895 = vector.broadcast %jit3A_894 : f32 to vector<128x128xf32>
    %select_n3A_896 = arith.select %lt3A_892, %broadcast_in_dim3A_895, %select_n3A_885 : vector<128x128xi1>, vector<128x128xf32>
    %slice3A_897 = vector.extract_strided_slice %get3A_2 {offsets = [0, 1152], sizes = [1, 128], strides = [1, 1]} : vector<1x8192xf32> to vector<1x128xf32>
    %add3A_898 = vector.broadcast %broadcast_in_dim3A_791 : vector<128x1xf32> to vector<128x128xf32>
    %add3A_899 = vector.broadcast %slice3A_897 : vector<1x128xf32> to vector<128x128xf32>
    %add3A_900 = arith.addf %add3A_898, %add3A_899 : vector<128x128xf32>
    %slice3A_901 = vector.extract_strided_slice %dot_general3A_793 {offsets = [0, 1152], sizes = [128, 128], strides = [1, 1]} : vector<128x8192xf32> to vector<128x128xf32>
    %sub3A_902 = arith.subf %add3A_900, %slice3A_901 : vector<128x128xf32>
    %lt3A_903 = arith.cmpf olt, %sub3A_902, %select_n3A_893 : vector<128x128xf32>
    %select_n3A_904 = arith.select %lt3A_903, %sub3A_902, %select_n3A_893 : vector<128x128xi1>, vector<128x128xf32>
    %jit3A_905 = arith.constant 9.000000e+00 : f32
    %broadcast_in_dim3A_906 = vector.broadcast %jit3A_905 : f32 to vector<128x128xf32>
    %select_n3A_907 = arith.select %lt3A_903, %broadcast_in_dim3A_906, %select_n3A_896 : vector<128x128xi1>, vector<128x128xf32>
    %slice3A_908 = vector.extract_strided_slice %get3A_2 {offsets = [0, 1280], sizes = [1, 128], strides = [1, 1]} : vector<1x8192xf32> to vector<1x128xf32>
    %add3A_909 = vector.broadcast %broadcast_in_dim3A_791 : vector<128x1xf32> to vector<128x128xf32>
    %add3A_910 = vector.broadcast %slice3A_908 : vector<1x128xf32> to vector<128x128xf32>
    %add3A_911 = arith.addf %add3A_909, %add3A_910 : vector<128x128xf32>
    %slice3A_912 = vector.extract_strided_slice %dot_general3A_793 {offsets = [0, 1280], sizes = [128, 128], strides = [1, 1]} : vector<128x8192xf32> to vector<128x128xf32>
    %sub3A_913 = arith.subf %add3A_911, %slice3A_912 : vector<128x128xf32>
    %lt3A_914 = arith.cmpf olt, %sub3A_913, %select_n3A_904 : vector<128x128xf32>
    %select_n3A_915 = arith.select %lt3A_914, %sub3A_913, %select_n3A_904 : vector<128x128xi1>, vector<128x128xf32>
    %jit3A_916 = arith.constant 1.000000e+01 : f32
    %broadcast_in_dim3A_917 = vector.broadcast %jit3A_916 : f32 to vector<128x128xf32>
    %select_n3A_918 = arith.select %lt3A_914, %broadcast_in_dim3A_917, %select_n3A_907 : vector<128x128xi1>, vector<128x128xf32>
    %slice3A_919 = vector.extract_strided_slice %get3A_2 {offsets = [0, 1408], sizes = [1, 128], strides = [1, 1]} : vector<1x8192xf32> to vector<1x128xf32>
    %add3A_920 = vector.broadcast %broadcast_in_dim3A_791 : vector<128x1xf32> to vector<128x128xf32>
    %add3A_921 = vector.broadcast %slice3A_919 : vector<1x128xf32> to vector<128x128xf32>
    %add3A_922 = arith.addf %add3A_920, %add3A_921 : vector<128x128xf32>
    %slice3A_923 = vector.extract_strided_slice %dot_general3A_793 {offsets = [0, 1408], sizes = [128, 128], strides = [1, 1]} : vector<128x8192xf32> to vector<128x128xf32>
    %sub3A_924 = arith.subf %add3A_922, %slice3A_923 : vector<128x128xf32>
    %lt3A_925 = arith.cmpf olt, %sub3A_924, %select_n3A_915 : vector<128x128xf32>
    %select_n3A_926 = arith.select %lt3A_925, %sub3A_924, %select_n3A_915 : vector<128x128xi1>, vector<128x128xf32>
    %jit3A_927 = arith.constant 1.100000e+01 : f32
    %broadcast_in_dim3A_928 = vector.broadcast %jit3A_927 : f32 to vector<128x128xf32>
    %select_n3A_929 = arith.select %lt3A_925, %broadcast_in_dim3A_928, %select_n3A_918 : vector<128x128xi1>, vector<128x128xf32>
    %slice3A_930 = vector.extract_strided_slice %get3A_2 {offsets = [0, 1536], sizes = [1, 128], strides = [1, 1]} : vector<1x8192xf32> to vector<1x128xf32>
    %add3A_931 = vector.broadcast %broadcast_in_dim3A_791 : vector<128x1xf32> to vector<128x128xf32>
    %add3A_932 = vector.broadcast %slice3A_930 : vector<1x128xf32> to vector<128x128xf32>
    %add3A_933 = arith.addf %add3A_931, %add3A_932 : vector<128x128xf32>
    %slice3A_934 = vector.extract_strided_slice %dot_general3A_793 {offsets = [0, 1536], sizes = [128, 128], strides = [1, 1]} : vector<128x8192xf32> to vector<128x128xf32>
    %sub3A_935 = arith.subf %add3A_933, %slice3A_934 : vector<128x128xf32>
    %lt3A_936 = arith.cmpf olt, %sub3A_935, %select_n3A_926 : vector<128x128xf32>
    %select_n3A_937 = arith.select %lt3A_936, %sub3A_935, %select_n3A_926 : vector<128x128xi1>, vector<128x128xf32>
    %jit3A_938 = arith.constant 1.200000e+01 : f32
    %broadcast_in_dim3A_939 = vector.broadcast %jit3A_938 : f32 to vector<128x128xf32>
    %select_n3A_940 = arith.select %lt3A_936, %broadcast_in_dim3A_939, %select_n3A_929 : vector<128x128xi1>, vector<128x128xf32>
    %slice3A_941 = vector.extract_strided_slice %get3A_2 {offsets = [0, 1664], sizes = [1, 128], strides = [1, 1]} : vector<1x8192xf32> to vector<1x128xf32>
    %add3A_942 = vector.broadcast %broadcast_in_dim3A_791 : vector<128x1xf32> to vector<128x128xf32>
    %add3A_943 = vector.broadcast %slice3A_941 : vector<1x128xf32> to vector<128x128xf32>
    %add3A_944 = arith.addf %add3A_942, %add3A_943 : vector<128x128xf32>
    %slice3A_945 = vector.extract_strided_slice %dot_general3A_793 {offsets = [0, 1664], sizes = [128, 128], strides = [1, 1]} : vector<128x8192xf32> to vector<128x128xf32>
    %sub3A_946 = arith.subf %add3A_944, %slice3A_945 : vector<128x128xf32>
    %lt3A_947 = arith.cmpf olt, %sub3A_946, %select_n3A_937 : vector<128x128xf32>
    %select_n3A_948 = arith.select %lt3A_947, %sub3A_946, %select_n3A_937 : vector<128x128xi1>, vector<128x128xf32>
    %jit3A_949 = arith.constant 1.300000e+01 : f32
    %broadcast_in_dim3A_950 = vector.broadcast %jit3A_949 : f32 to vector<128x128xf32>
    %select_n3A_951 = arith.select %lt3A_947, %broadcast_in_dim3A_950, %select_n3A_940 : vector<128x128xi1>, vector<128x128xf32>
    %slice3A_952 = vector.extract_strided_slice %get3A_2 {offsets = [0, 1792], sizes = [1, 128], strides = [1, 1]} : vector<1x8192xf32> to vector<1x128xf32>
    %add3A_953 = vector.broadcast %broadcast_in_dim3A_791 : vector<128x1xf32> to vector<128x128xf32>
    %add3A_954 = vector.broadcast %slice3A_952 : vector<1x128xf32> to vector<128x128xf32>
    %add3A_955 = arith.addf %add3A_953, %add3A_954 : vector<128x128xf32>
    %slice3A_956 = vector.extract_strided_slice %dot_general3A_793 {offsets = [0, 1792], sizes = [128, 128], strides = [1, 1]} : vector<128x8192xf32> to vector<128x128xf32>
    %sub3A_957 = arith.subf %add3A_955, %slice3A_956 : vector<128x128xf32>
    %lt3A_958 = arith.cmpf olt, %sub3A_957, %select_n3A_948 : vector<128x128xf32>
    %select_n3A_959 = arith.select %lt3A_958, %sub3A_957, %select_n3A_948 : vector<128x128xi1>, vector<128x128xf32>
    %jit3A_960 = arith.constant 1.400000e+01 : f32
    %broadcast_in_dim3A_961 = vector.broadcast %jit3A_960 : f32 to vector<128x128xf32>
    %select_n3A_962 = arith.select %lt3A_958, %broadcast_in_dim3A_961, %select_n3A_951 : vector<128x128xi1>, vector<128x128xf32>
    %slice3A_963 = vector.extract_strided_slice %get3A_2 {offsets = [0, 1920], sizes = [1, 128], strides = [1, 1]} : vector<1x8192xf32> to vector<1x128xf32>
    %add3A_964 = vector.broadcast %broadcast_in_dim3A_791 : vector<128x1xf32> to vector<128x128xf32>
    %add3A_965 = vector.broadcast %slice3A_963 : vector<1x128xf32> to vector<128x128xf32>
    %add3A_966 = arith.addf %add3A_964, %add3A_965 : vector<128x128xf32>
    %slice3A_967 = vector.extract_strided_slice %dot_general3A_793 {offsets = [0, 1920], sizes = [128, 128], strides = [1, 1]} : vector<128x8192xf32> to vector<128x128xf32>
    %sub3A_968 = arith.subf %add3A_966, %slice3A_967 : vector<128x128xf32>
    %lt3A_969 = arith.cmpf olt, %sub3A_968, %select_n3A_959 : vector<128x128xf32>
    %select_n3A_970 = arith.select %lt3A_969, %sub3A_968, %select_n3A_959 : vector<128x128xi1>, vector<128x128xf32>
    %jit3A_971 = arith.constant 1.500000e+01 : f32
    %broadcast_in_dim3A_972 = vector.broadcast %jit3A_971 : f32 to vector<128x128xf32>
    %select_n3A_973 = arith.select %lt3A_969, %broadcast_in_dim3A_972, %select_n3A_962 : vector<128x128xi1>, vector<128x128xf32>
    %slice3A_974 = vector.extract_strided_slice %get3A_2 {offsets = [0, 2048], sizes = [1, 128], strides = [1, 1]} : vector<1x8192xf32> to vector<1x128xf32>
    %add3A_975 = vector.broadcast %broadcast_in_dim3A_791 : vector<128x1xf32> to vector<128x128xf32>
    %add3A_976 = vector.broadcast %slice3A_974 : vector<1x128xf32> to vector<128x128xf32>
    %add3A_977 = arith.addf %add3A_975, %add3A_976 : vector<128x128xf32>
    %slice3A_978 = vector.extract_strided_slice %dot_general3A_793 {offsets = [0, 2048], sizes = [128, 128], strides = [1, 1]} : vector<128x8192xf32> to vector<128x128xf32>
    %sub3A_979 = arith.subf %add3A_977, %slice3A_978 : vector<128x128xf32>
    %lt3A_980 = arith.cmpf olt, %sub3A_979, %select_n3A_970 : vector<128x128xf32>
    %select_n3A_981 = arith.select %lt3A_980, %sub3A_979, %select_n3A_970 : vector<128x128xi1>, vector<128x128xf32>
    %jit3A_982 = arith.constant 1.600000e+01 : f32
    %broadcast_in_dim3A_983 = vector.broadcast %jit3A_982 : f32 to vector<128x128xf32>
    %select_n3A_984 = arith.select %lt3A_980, %broadcast_in_dim3A_983, %select_n3A_973 : vector<128x128xi1>, vector<128x128xf32>
    %slice3A_985 = vector.extract_strided_slice %get3A_2 {offsets = [0, 2176], sizes = [1, 128], strides = [1, 1]} : vector<1x8192xf32> to vector<1x128xf32>
    %add3A_986 = vector.broadcast %broadcast_in_dim3A_791 : vector<128x1xf32> to vector<128x128xf32>
    %add3A_987 = vector.broadcast %slice3A_985 : vector<1x128xf32> to vector<128x128xf32>
    %add3A_988 = arith.addf %add3A_986, %add3A_987 : vector<128x128xf32>
    %slice3A_989 = vector.extract_strided_slice %dot_general3A_793 {offsets = [0, 2176], sizes = [128, 128], strides = [1, 1]} : vector<128x8192xf32> to vector<128x128xf32>
    %sub3A_990 = arith.subf %add3A_988, %slice3A_989 : vector<128x128xf32>
    %lt3A_991 = arith.cmpf olt, %sub3A_990, %select_n3A_981 : vector<128x128xf32>
    %select_n3A_992 = arith.select %lt3A_991, %sub3A_990, %select_n3A_981 : vector<128x128xi1>, vector<128x128xf32>
    %jit3A_993 = arith.constant 1.700000e+01 : f32
    %broadcast_in_dim3A_994 = vector.broadcast %jit3A_993 : f32 to vector<128x128xf32>
    %select_n3A_995 = arith.select %lt3A_991, %broadcast_in_dim3A_994, %select_n3A_984 : vector<128x128xi1>, vector<128x128xf32>
    %slice3A_996 = vector.extract_strided_slice %get3A_2 {offsets = [0, 2304], sizes = [1, 128], strides = [1, 1]} : vector<1x8192xf32> to vector<1x128xf32>
    %add3A_997 = vector.broadcast %broadcast_in_dim3A_791 : vector<128x1xf32> to vector<128x128xf32>
    %add3A_998 = vector.broadcast %slice3A_996 : vector<1x128xf32> to vector<128x128xf32>
    %add3A_999 = arith.addf %add3A_997, %add3A_998 : vector<128x128xf32>
    %slice3A_1000 = vector.extract_strided_slice %dot_general3A_793 {offsets = [0, 2304], sizes = [128, 128], strides = [1, 1]} : vector<128x8192xf32> to vector<128x128xf32>
    %sub3A_1001 = arith.subf %add3A_999, %slice3A_1000 : vector<128x128xf32>
    %lt3A_1002 = arith.cmpf olt, %sub3A_1001, %select_n3A_992 : vector<128x128xf32>
    %select_n3A_1003 = arith.select %lt3A_1002, %sub3A_1001, %select_n3A_992 : vector<128x128xi1>, vector<128x128xf32>
    %jit3A_1004 = arith.constant 1.800000e+01 : f32
    %broadcast_in_dim3A_1005 = vector.broadcast %jit3A_1004 : f32 to vector<128x128xf32>
    %select_n3A_1006 = arith.select %lt3A_1002, %broadcast_in_dim3A_1005, %select_n3A_995 : vector<128x128xi1>, vector<128x128xf32>
    %slice3A_1007 = vector.extract_strided_slice %get3A_2 {offsets = [0, 2432], sizes = [1, 128], strides = [1, 1]} : vector<1x8192xf32> to vector<1x128xf32>
    %add3A_1008 = vector.broadcast %broadcast_in_dim3A_791 : vector<128x1xf32> to vector<128x128xf32>
    %add3A_1009 = vector.broadcast %slice3A_1007 : vector<1x128xf32> to vector<128x128xf32>
    %add3A_1010 = arith.addf %add3A_1008, %add3A_1009 : vector<128x128xf32>
    %slice3A_1011 = vector.extract_strided_slice %dot_general3A_793 {offsets = [0, 2432], sizes = [128, 128], strides = [1, 1]} : vector<128x8192xf32> to vector<128x128xf32>
    %sub3A_1012 = arith.subf %add3A_1010, %slice3A_1011 : vector<128x128xf32>
    %lt3A_1013 = arith.cmpf olt, %sub3A_1012, %select_n3A_1003 : vector<128x128xf32>
    %select_n3A_1014 = arith.select %lt3A_1013, %sub3A_1012, %select_n3A_1003 : vector<128x128xi1>, vector<128x128xf32>
    %jit3A_1015 = arith.constant 1.900000e+01 : f32
    %broadcast_in_dim3A_1016 = vector.broadcast %jit3A_1015 : f32 to vector<128x128xf32>
    %select_n3A_1017 = arith.select %lt3A_1013, %broadcast_in_dim3A_1016, %select_n3A_1006 : vector<128x128xi1>, vector<128x128xf32>
    %slice3A_1018 = vector.extract_strided_slice %get3A_2 {offsets = [0, 2560], sizes = [1, 128], strides = [1, 1]} : vector<1x8192xf32> to vector<1x128xf32>
    %add3A_1019 = vector.broadcast %broadcast_in_dim3A_791 : vector<128x1xf32> to vector<128x128xf32>
    %add3A_1020 = vector.broadcast %slice3A_1018 : vector<1x128xf32> to vector<128x128xf32>
    %add3A_1021 = arith.addf %add3A_1019, %add3A_1020 : vector<128x128xf32>
    %slice3A_1022 = vector.extract_strided_slice %dot_general3A_793 {offsets = [0, 2560], sizes = [128, 128], strides = [1, 1]} : vector<128x8192xf32> to vector<128x128xf32>
    %sub3A_1023 = arith.subf %add3A_1021, %slice3A_1022 : vector<128x128xf32>
    %lt3A_1024 = arith.cmpf olt, %sub3A_1023, %select_n3A_1014 : vector<128x128xf32>
    %select_n3A_1025 = arith.select %lt3A_1024, %sub3A_1023, %select_n3A_1014 : vector<128x128xi1>, vector<128x128xf32>
    %jit3A_1026 = arith.constant 2.000000e+01 : f32
    %broadcast_in_dim3A_1027 = vector.broadcast %jit3A_1026 : f32 to vector<128x128xf32>
    %select_n3A_1028 = arith.select %lt3A_1024, %broadcast_in_dim3A_1027, %select_n3A_1017 : vector<128x128xi1>, vector<128x128xf32>
    %slice3A_1029 = vector.extract_strided_slice %get3A_2 {offsets = [0, 2688], sizes = [1, 128], strides = [1, 1]} : vector<1x8192xf32> to vector<1x128xf32>
    %add3A_1030 = vector.broadcast %broadcast_in_dim3A_791 : vector<128x1xf32> to vector<128x128xf32>
    %add3A_1031 = vector.broadcast %slice3A_1029 : vector<1x128xf32> to vector<128x128xf32>
    %add3A_1032 = arith.addf %add3A_1030, %add3A_1031 : vector<128x128xf32>
    %slice3A_1033 = vector.extract_strided_slice %dot_general3A_793 {offsets = [0, 2688], sizes = [128, 128], strides = [1, 1]} : vector<128x8192xf32> to vector<128x128xf32>
    %sub3A_1034 = arith.subf %add3A_1032, %slice3A_1033 : vector<128x128xf32>
    %lt3A_1035 = arith.cmpf olt, %sub3A_1034, %select_n3A_1025 : vector<128x128xf32>
    %select_n3A_1036 = arith.select %lt3A_1035, %sub3A_1034, %select_n3A_1025 : vector<128x128xi1>, vector<128x128xf32>
    %jit3A_1037 = arith.constant 2.100000e+01 : f32
    %broadcast_in_dim3A_1038 = vector.broadcast %jit3A_1037 : f32 to vector<128x128xf32>
    %select_n3A_1039 = arith.select %lt3A_1035, %broadcast_in_dim3A_1038, %select_n3A_1028 : vector<128x128xi1>, vector<128x128xf32>
    %slice3A_1040 = vector.extract_strided_slice %get3A_2 {offsets = [0, 2816], sizes = [1, 128], strides = [1, 1]} : vector<1x8192xf32> to vector<1x128xf32>
    %add3A_1041 = vector.broadcast %broadcast_in_dim3A_791 : vector<128x1xf32> to vector<128x128xf32>
    %add3A_1042 = vector.broadcast %slice3A_1040 : vector<1x128xf32> to vector<128x128xf32>
    %add3A_1043 = arith.addf %add3A_1041, %add3A_1042 : vector<128x128xf32>
    %slice3A_1044 = vector.extract_strided_slice %dot_general3A_793 {offsets = [0, 2816], sizes = [128, 128], strides = [1, 1]} : vector<128x8192xf32> to vector<128x128xf32>
    %sub3A_1045 = arith.subf %add3A_1043, %slice3A_1044 : vector<128x128xf32>
    %lt3A_1046 = arith.cmpf olt, %sub3A_1045, %select_n3A_1036 : vector<128x128xf32>
    %select_n3A_1047 = arith.select %lt3A_1046, %sub3A_1045, %select_n3A_1036 : vector<128x128xi1>, vector<128x128xf32>
    %jit3A_1048 = arith.constant 2.200000e+01 : f32
    %broadcast_in_dim3A_1049 = vector.broadcast %jit3A_1048 : f32 to vector<128x128xf32>
    %select_n3A_1050 = arith.select %lt3A_1046, %broadcast_in_dim3A_1049, %select_n3A_1039 : vector<128x128xi1>, vector<128x128xf32>
    %slice3A_1051 = vector.extract_strided_slice %get3A_2 {offsets = [0, 2944], sizes = [1, 128], strides = [1, 1]} : vector<1x8192xf32> to vector<1x128xf32>
    %add3A_1052 = vector.broadcast %broadcast_in_dim3A_791 : vector<128x1xf32> to vector<128x128xf32>
    %add3A_1053 = vector.broadcast %slice3A_1051 : vector<1x128xf32> to vector<128x128xf32>
    %add3A_1054 = arith.addf %add3A_1052, %add3A_1053 : vector<128x128xf32>
    %slice3A_1055 = vector.extract_strided_slice %dot_general3A_793 {offsets = [0, 2944], sizes = [128, 128], strides = [1, 1]} : vector<128x8192xf32> to vector<128x128xf32>
    %sub3A_1056 = arith.subf %add3A_1054, %slice3A_1055 : vector<128x128xf32>
    %lt3A_1057 = arith.cmpf olt, %sub3A_1056, %select_n3A_1047 : vector<128x128xf32>
    %select_n3A_1058 = arith.select %lt3A_1057, %sub3A_1056, %select_n3A_1047 : vector<128x128xi1>, vector<128x128xf32>
    %jit3A_1059 = arith.constant 2.300000e+01 : f32
    %broadcast_in_dim3A_1060 = vector.broadcast %jit3A_1059 : f32 to vector<128x128xf32>
    %select_n3A_1061 = arith.select %lt3A_1057, %broadcast_in_dim3A_1060, %select_n3A_1050 : vector<128x128xi1>, vector<128x128xf32>
    %slice3A_1062 = vector.extract_strided_slice %get3A_2 {offsets = [0, 3072], sizes = [1, 128], strides = [1, 1]} : vector<1x8192xf32> to vector<1x128xf32>
    %add3A_1063 = vector.broadcast %broadcast_in_dim3A_791 : vector<128x1xf32> to vector<128x128xf32>
    %add3A_1064 = vector.broadcast %slice3A_1062 : vector<1x128xf32> to vector<128x128xf32>
    %add3A_1065 = arith.addf %add3A_1063, %add3A_1064 : vector<128x128xf32>
    %slice3A_1066 = vector.extract_strided_slice %dot_general3A_793 {offsets = [0, 3072], sizes = [128, 128], strides = [1, 1]} : vector<128x8192xf32> to vector<128x128xf32>
    %sub3A_1067 = arith.subf %add3A_1065, %slice3A_1066 : vector<128x128xf32>
    %lt3A_1068 = arith.cmpf olt, %sub3A_1067, %select_n3A_1058 : vector<128x128xf32>
    %select_n3A_1069 = arith.select %lt3A_1068, %sub3A_1067, %select_n3A_1058 : vector<128x128xi1>, vector<128x128xf32>
    %jit3A_1070 = arith.constant 2.400000e+01 : f32
    %broadcast_in_dim3A_1071 = vector.broadcast %jit3A_1070 : f32 to vector<128x128xf32>
    %select_n3A_1072 = arith.select %lt3A_1068, %broadcast_in_dim3A_1071, %select_n3A_1061 : vector<128x128xi1>, vector<128x128xf32>
    %slice3A_1073 = vector.extract_strided_slice %get3A_2 {offsets = [0, 3200], sizes = [1, 128], strides = [1, 1]} : vector<1x8192xf32> to vector<1x128xf32>
    %add3A_1074 = vector.broadcast %broadcast_in_dim3A_791 : vector<128x1xf32> to vector<128x128xf32>
    %add3A_1075 = vector.broadcast %slice3A_1073 : vector<1x128xf32> to vector<128x128xf32>
    %add3A_1076 = arith.addf %add3A_1074, %add3A_1075 : vector<128x128xf32>
    %slice3A_1077 = vector.extract_strided_slice %dot_general3A_793 {offsets = [0, 3200], sizes = [128, 128], strides = [1, 1]} : vector<128x8192xf32> to vector<128x128xf32>
    %sub3A_1078 = arith.subf %add3A_1076, %slice3A_1077 : vector<128x128xf32>
    %lt3A_1079 = arith.cmpf olt, %sub3A_1078, %select_n3A_1069 : vector<128x128xf32>
    %select_n3A_1080 = arith.select %lt3A_1079, %sub3A_1078, %select_n3A_1069 : vector<128x128xi1>, vector<128x128xf32>
    %jit3A_1081 = arith.constant 2.500000e+01 : f32
    %broadcast_in_dim3A_1082 = vector.broadcast %jit3A_1081 : f32 to vector<128x128xf32>
    %select_n3A_1083 = arith.select %lt3A_1079, %broadcast_in_dim3A_1082, %select_n3A_1072 : vector<128x128xi1>, vector<128x128xf32>
    %slice3A_1084 = vector.extract_strided_slice %get3A_2 {offsets = [0, 3328], sizes = [1, 128], strides = [1, 1]} : vector<1x8192xf32> to vector<1x128xf32>
    %add3A_1085 = vector.broadcast %broadcast_in_dim3A_791 : vector<128x1xf32> to vector<128x128xf32>
    %add3A_1086 = vector.broadcast %slice3A_1084 : vector<1x128xf32> to vector<128x128xf32>
    %add3A_1087 = arith.addf %add3A_1085, %add3A_1086 : vector<128x128xf32>
    %slice3A_1088 = vector.extract_strided_slice %dot_general3A_793 {offsets = [0, 3328], sizes = [128, 128], strides = [1, 1]} : vector<128x8192xf32> to vector<128x128xf32>
    %sub3A_1089 = arith.subf %add3A_1087, %slice3A_1088 : vector<128x128xf32>
    %lt3A_1090 = arith.cmpf olt, %sub3A_1089, %select_n3A_1080 : vector<128x128xf32>
    %select_n3A_1091 = arith.select %lt3A_1090, %sub3A_1089, %select_n3A_1080 : vector<128x128xi1>, vector<128x128xf32>
    %jit3A_1092 = arith.constant 2.600000e+01 : f32
    %broadcast_in_dim3A_1093 = vector.broadcast %jit3A_1092 : f32 to vector<128x128xf32>
    %select_n3A_1094 = arith.select %lt3A_1090, %broadcast_in_dim3A_1093, %select_n3A_1083 : vector<128x128xi1>, vector<128x128xf32>
    %slice3A_1095 = vector.extract_strided_slice %get3A_2 {offsets = [0, 3456], sizes = [1, 128], strides = [1, 1]} : vector<1x8192xf32> to vector<1x128xf32>
    %add3A_1096 = vector.broadcast %broadcast_in_dim3A_791 : vector<128x1xf32> to vector<128x128xf32>
    %add3A_1097 = vector.broadcast %slice3A_1095 : vector<1x128xf32> to vector<128x128xf32>
    %add3A_1098 = arith.addf %add3A_1096, %add3A_1097 : vector<128x128xf32>
    %slice3A_1099 = vector.extract_strided_slice %dot_general3A_793 {offsets = [0, 3456], sizes = [128, 128], strides = [1, 1]} : vector<128x8192xf32> to vector<128x128xf32>
    %sub3A_1100 = arith.subf %add3A_1098, %slice3A_1099 : vector<128x128xf32>
    %lt3A_1101 = arith.cmpf olt, %sub3A_1100, %select_n3A_1091 : vector<128x128xf32>
    %select_n3A_1102 = arith.select %lt3A_1101, %sub3A_1100, %select_n3A_1091 : vector<128x128xi1>, vector<128x128xf32>
    %jit3A_1103 = arith.constant 2.700000e+01 : f32
    %broadcast_in_dim3A_1104 = vector.broadcast %jit3A_1103 : f32 to vector<128x128xf32>
    %select_n3A_1105 = arith.select %lt3A_1101, %broadcast_in_dim3A_1104, %select_n3A_1094 : vector<128x128xi1>, vector<128x128xf32>
    %slice3A_1106 = vector.extract_strided_slice %get3A_2 {offsets = [0, 3584], sizes = [1, 128], strides = [1, 1]} : vector<1x8192xf32> to vector<1x128xf32>
    %add3A_1107 = vector.broadcast %broadcast_in_dim3A_791 : vector<128x1xf32> to vector<128x128xf32>
    %add3A_1108 = vector.broadcast %slice3A_1106 : vector<1x128xf32> to vector<128x128xf32>
    %add3A_1109 = arith.addf %add3A_1107, %add3A_1108 : vector<128x128xf32>
    %slice3A_1110 = vector.extract_strided_slice %dot_general3A_793 {offsets = [0, 3584], sizes = [128, 128], strides = [1, 1]} : vector<128x8192xf32> to vector<128x128xf32>
    %sub3A_1111 = arith.subf %add3A_1109, %slice3A_1110 : vector<128x128xf32>
    %lt3A_1112 = arith.cmpf olt, %sub3A_1111, %select_n3A_1102 : vector<128x128xf32>
    %select_n3A_1113 = arith.select %lt3A_1112, %sub3A_1111, %select_n3A_1102 : vector<128x128xi1>, vector<128x128xf32>
    %jit3A_1114 = arith.constant 2.800000e+01 : f32
    %broadcast_in_dim3A_1115 = vector.broadcast %jit3A_1114 : f32 to vector<128x128xf32>
    %select_n3A_1116 = arith.select %lt3A_1112, %broadcast_in_dim3A_1115, %select_n3A_1105 : vector<128x128xi1>, vector<128x128xf32>
    %slice3A_1117 = vector.extract_strided_slice %get3A_2 {offsets = [0, 3712], sizes = [1, 128], strides = [1, 1]} : vector<1x8192xf32> to vector<1x128xf32>
    %add3A_1118 = vector.broadcast %broadcast_in_dim3A_791 : vector<128x1xf32> to vector<128x128xf32>
    %add3A_1119 = vector.broadcast %slice3A_1117 : vector<1x128xf32> to vector<128x128xf32>
    %add3A_1120 = arith.addf %add3A_1118, %add3A_1119 : vector<128x128xf32>
    %slice3A_1121 = vector.extract_strided_slice %dot_general3A_793 {offsets = [0, 3712], sizes = [128, 128], strides = [1, 1]} : vector<128x8192xf32> to vector<128x128xf32>
    %sub3A_1122 = arith.subf %add3A_1120, %slice3A_1121 : vector<128x128xf32>
    %lt3A_1123 = arith.cmpf olt, %sub3A_1122, %select_n3A_1113 : vector<128x128xf32>
    %select_n3A_1124 = arith.select %lt3A_1123, %sub3A_1122, %select_n3A_1113 : vector<128x128xi1>, vector<128x128xf32>
    %jit3A_1125 = arith.constant 2.900000e+01 : f32
    %broadcast_in_dim3A_1126 = vector.broadcast %jit3A_1125 : f32 to vector<128x128xf32>
    %select_n3A_1127 = arith.select %lt3A_1123, %broadcast_in_dim3A_1126, %select_n3A_1116 : vector<128x128xi1>, vector<128x128xf32>
    %slice3A_1128 = vector.extract_strided_slice %get3A_2 {offsets = [0, 3840], sizes = [1, 128], strides = [1, 1]} : vector<1x8192xf32> to vector<1x128xf32>
    %add3A_1129 = vector.broadcast %broadcast_in_dim3A_791 : vector<128x1xf32> to vector<128x128xf32>
    %add3A_1130 = vector.broadcast %slice3A_1128 : vector<1x128xf32> to vector<128x128xf32>
    %add3A_1131 = arith.addf %add3A_1129, %add3A_1130 : vector<128x128xf32>
    %slice3A_1132 = vector.extract_strided_slice %dot_general3A_793 {offsets = [0, 3840], sizes = [128, 128], strides = [1, 1]} : vector<128x8192xf32> to vector<128x128xf32>
    %sub3A_1133 = arith.subf %add3A_1131, %slice3A_1132 : vector<128x128xf32>
    %lt3A_1134 = arith.cmpf olt, %sub3A_1133, %select_n3A_1124 : vector<128x128xf32>
    %select_n3A_1135 = arith.select %lt3A_1134, %sub3A_1133, %select_n3A_1124 : vector<128x128xi1>, vector<128x128xf32>
    %jit3A_1136 = arith.constant 3.000000e+01 : f32
    %broadcast_in_dim3A_1137 = vector.broadcast %jit3A_1136 : f32 to vector<128x128xf32>
    %select_n3A_1138 = arith.select %lt3A_1134, %broadcast_in_dim3A_1137, %select_n3A_1127 : vector<128x128xi1>, vector<128x128xf32>
    %slice3A_1139 = vector.extract_strided_slice %get3A_2 {offsets = [0, 3968], sizes = [1, 128], strides = [1, 1]} : vector<1x8192xf32> to vector<1x128xf32>
    %add3A_1140 = vector.broadcast %broadcast_in_dim3A_791 : vector<128x1xf32> to vector<128x128xf32>
    %add3A_1141 = vector.broadcast %slice3A_1139 : vector<1x128xf32> to vector<128x128xf32>
    %add3A_1142 = arith.addf %add3A_1140, %add3A_1141 : vector<128x128xf32>
    %slice3A_1143 = vector.extract_strided_slice %dot_general3A_793 {offsets = [0, 3968], sizes = [128, 128], strides = [1, 1]} : vector<128x8192xf32> to vector<128x128xf32>
    %sub3A_1144 = arith.subf %add3A_1142, %slice3A_1143 : vector<128x128xf32>
    %lt3A_1145 = arith.cmpf olt, %sub3A_1144, %select_n3A_1135 : vector<128x128xf32>
    %select_n3A_1146 = arith.select %lt3A_1145, %sub3A_1144, %select_n3A_1135 : vector<128x128xi1>, vector<128x128xf32>
    %jit3A_1147 = arith.constant 3.100000e+01 : f32
    %broadcast_in_dim3A_1148 = vector.broadcast %jit3A_1147 : f32 to vector<128x128xf32>
    %select_n3A_1149 = arith.select %lt3A_1145, %broadcast_in_dim3A_1148, %select_n3A_1138 : vector<128x128xi1>, vector<128x128xf32>
    %iota3A_1150 = tpu.iota {dimensions = array<i32: 1>} : vector<128x128xi32>
    %convert_element_type3A_1151 = arith.sitofp %iota3A_1150 : vector<128x128xi32> to vector<128x128xf32>
    %mul3A_1152 = arith.constant 1.280000e+02 : f32
    %mul3A_1153 = vector.broadcast %mul3A_1152 : f32 to vector<128x128xf32>
    %mul3A_1154 = arith.mulf %select_n3A_1149, %mul3A_1153 : vector<128x128xf32>
    %add3A_1155 = arith.addf %mul3A_1154, %convert_element_type3A_1151 : vector<128x128xf32>
    %add3A_1156 = arith.constant 0.000000e+00 : f32
    %add3A_1157 = vector.broadcast %add3A_1156 : f32 to vector<128x128xf32>
    %add3A_1158 = arith.addf %add3A_1155, %add3A_1157 : vector<128x128xf32>
    %reduce_min3A_1159 = arith.constant dense<0x7F800000> : vector<128xf32>
    %reduce_min3A_1160 = vector.multi_reduction <minimumf>, %select_n3A_1146, %reduce_min3A_1159 [1] : vector<128x128xf32> to vector<128xf32>
    %broadcast_in_dim3A_1161 = vector.shape_cast %reduce_min3A_1160 : vector<128xf32> to vector<128x1xf32>
    %eq3A_1162 = vector.broadcast %broadcast_in_dim3A_1161 : vector<128x1xf32> to vector<128x128xf32>
    %eq3A_1163 = arith.cmpf oeq, %select_n3A_1146, %eq3A_1162 : vector<128x128xf32>
    %jit3A_1164 = arith.constant 8.192000e+03 : f32
    %broadcast_in_dim3A_1165 = vector.broadcast %jit3A_1164 : f32 to vector<128x128xf32>
    %select_n3A_1166 = arith.select %eq3A_1163, %add3A_1158, %broadcast_in_dim3A_1165 : vector<128x128xi1>, vector<128x128xf32>
    %reduce_min3A_1167 = arith.constant dense<0x7F800000> : vector<128xf32>
    %reduce_min3A_1168 = vector.multi_reduction <minimumf>, %select_n3A_1166, %reduce_min3A_1167 [1] : vector<128x128xf32> to vector<128xf32>
    %broadcast_in_dim3A_1169 = vector.shape_cast %reduce_min3A_1168 : vector<128xf32> to vector<128x1xf32>
    %broadcast_in_dim3A_1170 = arith.constant 0x7F800000 : f32
    %broadcast_in_dim3A_1171 = vector.broadcast %broadcast_in_dim3A_1170 : f32 to vector<128x128xf32>
    %broadcast_in_dim3A_1172 = arith.constant 0.000000e+00 : f32
    %broadcast_in_dim3A_1173 = vector.broadcast %broadcast_in_dim3A_1172 : f32 to vector<128x128xf32>
    %slice3A_1174 = vector.extract_strided_slice %get3A_2 {offsets = [0, 4096], sizes = [1, 128], strides = [1, 1]} : vector<1x8192xf32> to vector<1x128xf32>
    %add3A_1175 = vector.broadcast %broadcast_in_dim3A_791 : vector<128x1xf32> to vector<128x128xf32>
    %add3A_1176 = vector.broadcast %slice3A_1174 : vector<1x128xf32> to vector<128x128xf32>
    %add3A_1177 = arith.addf %add3A_1175, %add3A_1176 : vector<128x128xf32>
    %slice3A_1178 = vector.extract_strided_slice %dot_general3A_793 {offsets = [0, 4096], sizes = [128, 128], strides = [1, 1]} : vector<128x8192xf32> to vector<128x128xf32>
    %sub3A_1179 = arith.subf %add3A_1177, %slice3A_1178 : vector<128x128xf32>
    %lt3A_1180 = arith.cmpf olt, %sub3A_1179, %broadcast_in_dim3A_1171 : vector<128x128xf32>
    %select_n3A_1181 = arith.select %lt3A_1180, %sub3A_1179, %broadcast_in_dim3A_1171 : vector<128x128xi1>, vector<128x128xf32>
    %jit3A_1182 = arith.constant 0.000000e+00 : f32
    %broadcast_in_dim3A_1183 = vector.broadcast %jit3A_1182 : f32 to vector<128x128xf32>
    %select_n3A_1184 = arith.select %lt3A_1180, %broadcast_in_dim3A_1183, %broadcast_in_dim3A_1173 : vector<128x128xi1>, vector<128x128xf32>
    %slice3A_1185 = vector.extract_strided_slice %get3A_2 {offsets = [0, 4224], sizes = [1, 128], strides = [1, 1]} : vector<1x8192xf32> to vector<1x128xf32>
    %add3A_1186 = vector.broadcast %broadcast_in_dim3A_791 : vector<128x1xf32> to vector<128x128xf32>
    %add3A_1187 = vector.broadcast %slice3A_1185 : vector<1x128xf32> to vector<128x128xf32>
    %add3A_1188 = arith.addf %add3A_1186, %add3A_1187 : vector<128x128xf32>
    %slice3A_1189 = vector.extract_strided_slice %dot_general3A_793 {offsets = [0, 4224], sizes = [128, 128], strides = [1, 1]} : vector<128x8192xf32> to vector<128x128xf32>
    %sub3A_1190 = arith.subf %add3A_1188, %slice3A_1189 : vector<128x128xf32>
    %lt3A_1191 = arith.cmpf olt, %sub3A_1190, %select_n3A_1181 : vector<128x128xf32>
    %select_n3A_1192 = arith.select %lt3A_1191, %sub3A_1190, %select_n3A_1181 : vector<128x128xi1>, vector<128x128xf32>
    %jit3A_1193 = arith.constant 1.000000e+00 : f32
    %broadcast_in_dim3A_1194 = vector.broadcast %jit3A_1193 : f32 to vector<128x128xf32>
    %select_n3A_1195 = arith.select %lt3A_1191, %broadcast_in_dim3A_1194, %select_n3A_1184 : vector<128x128xi1>, vector<128x128xf32>
    %slice3A_1196 = vector.extract_strided_slice %get3A_2 {offsets = [0, 4352], sizes = [1, 128], strides = [1, 1]} : vector<1x8192xf32> to vector<1x128xf32>
    %add3A_1197 = vector.broadcast %broadcast_in_dim3A_791 : vector<128x1xf32> to vector<128x128xf32>
    %add3A_1198 = vector.broadcast %slice3A_1196 : vector<1x128xf32> to vector<128x128xf32>
    %add3A_1199 = arith.addf %add3A_1197, %add3A_1198 : vector<128x128xf32>
    %slice3A_1200 = vector.extract_strided_slice %dot_general3A_793 {offsets = [0, 4352], sizes = [128, 128], strides = [1, 1]} : vector<128x8192xf32> to vector<128x128xf32>
    %sub3A_1201 = arith.subf %add3A_1199, %slice3A_1200 : vector<128x128xf32>
    %lt3A_1202 = arith.cmpf olt, %sub3A_1201, %select_n3A_1192 : vector<128x128xf32>
    %select_n3A_1203 = arith.select %lt3A_1202, %sub3A_1201, %select_n3A_1192 : vector<128x128xi1>, vector<128x128xf32>
    %jit3A_1204 = arith.constant 2.000000e+00 : f32
    %broadcast_in_dim3A_1205 = vector.broadcast %jit3A_1204 : f32 to vector<128x128xf32>
    %select_n3A_1206 = arith.select %lt3A_1202, %broadcast_in_dim3A_1205, %select_n3A_1195 : vector<128x128xi1>, vector<128x128xf32>
    %slice3A_1207 = vector.extract_strided_slice %get3A_2 {offsets = [0, 4480], sizes = [1, 128], strides = [1, 1]} : vector<1x8192xf32> to vector<1x128xf32>
    %add3A_1208 = vector.broadcast %broadcast_in_dim3A_791 : vector<128x1xf32> to vector<128x128xf32>
    %add3A_1209 = vector.broadcast %slice3A_1207 : vector<1x128xf32> to vector<128x128xf32>
    %add3A_1210 = arith.addf %add3A_1208, %add3A_1209 : vector<128x128xf32>
    %slice3A_1211 = vector.extract_strided_slice %dot_general3A_793 {offsets = [0, 4480], sizes = [128, 128], strides = [1, 1]} : vector<128x8192xf32> to vector<128x128xf32>
    %sub3A_1212 = arith.subf %add3A_1210, %slice3A_1211 : vector<128x128xf32>
    %lt3A_1213 = arith.cmpf olt, %sub3A_1212, %select_n3A_1203 : vector<128x128xf32>
    %select_n3A_1214 = arith.select %lt3A_1213, %sub3A_1212, %select_n3A_1203 : vector<128x128xi1>, vector<128x128xf32>
    %jit3A_1215 = arith.constant 3.000000e+00 : f32
    %broadcast_in_dim3A_1216 = vector.broadcast %jit3A_1215 : f32 to vector<128x128xf32>
    %select_n3A_1217 = arith.select %lt3A_1213, %broadcast_in_dim3A_1216, %select_n3A_1206 : vector<128x128xi1>, vector<128x128xf32>
    %slice3A_1218 = vector.extract_strided_slice %get3A_2 {offsets = [0, 4608], sizes = [1, 128], strides = [1, 1]} : vector<1x8192xf32> to vector<1x128xf32>
    %add3A_1219 = vector.broadcast %broadcast_in_dim3A_791 : vector<128x1xf32> to vector<128x128xf32>
    %add3A_1220 = vector.broadcast %slice3A_1218 : vector<1x128xf32> to vector<128x128xf32>
    %add3A_1221 = arith.addf %add3A_1219, %add3A_1220 : vector<128x128xf32>
    %slice3A_1222 = vector.extract_strided_slice %dot_general3A_793 {offsets = [0, 4608], sizes = [128, 128], strides = [1, 1]} : vector<128x8192xf32> to vector<128x128xf32>
    %sub3A_1223 = arith.subf %add3A_1221, %slice3A_1222 : vector<128x128xf32>
    %lt3A_1224 = arith.cmpf olt, %sub3A_1223, %select_n3A_1214 : vector<128x128xf32>
    %select_n3A_1225 = arith.select %lt3A_1224, %sub3A_1223, %select_n3A_1214 : vector<128x128xi1>, vector<128x128xf32>
    %jit3A_1226 = arith.constant 4.000000e+00 : f32
    %broadcast_in_dim3A_1227 = vector.broadcast %jit3A_1226 : f32 to vector<128x128xf32>
    %select_n3A_1228 = arith.select %lt3A_1224, %broadcast_in_dim3A_1227, %select_n3A_1217 : vector<128x128xi1>, vector<128x128xf32>
    %slice3A_1229 = vector.extract_strided_slice %get3A_2 {offsets = [0, 4736], sizes = [1, 128], strides = [1, 1]} : vector<1x8192xf32> to vector<1x128xf32>
    %add3A_1230 = vector.broadcast %broadcast_in_dim3A_791 : vector<128x1xf32> to vector<128x128xf32>
    %add3A_1231 = vector.broadcast %slice3A_1229 : vector<1x128xf32> to vector<128x128xf32>
    %add3A_1232 = arith.addf %add3A_1230, %add3A_1231 : vector<128x128xf32>
    %slice3A_1233 = vector.extract_strided_slice %dot_general3A_793 {offsets = [0, 4736], sizes = [128, 128], strides = [1, 1]} : vector<128x8192xf32> to vector<128x128xf32>
    %sub3A_1234 = arith.subf %add3A_1232, %slice3A_1233 : vector<128x128xf32>
    %lt3A_1235 = arith.cmpf olt, %sub3A_1234, %select_n3A_1225 : vector<128x128xf32>
    %select_n3A_1236 = arith.select %lt3A_1235, %sub3A_1234, %select_n3A_1225 : vector<128x128xi1>, vector<128x128xf32>
    %jit3A_1237 = arith.constant 5.000000e+00 : f32
    %broadcast_in_dim3A_1238 = vector.broadcast %jit3A_1237 : f32 to vector<128x128xf32>
    %select_n3A_1239 = arith.select %lt3A_1235, %broadcast_in_dim3A_1238, %select_n3A_1228 : vector<128x128xi1>, vector<128x128xf32>
    %slice3A_1240 = vector.extract_strided_slice %get3A_2 {offsets = [0, 4864], sizes = [1, 128], strides = [1, 1]} : vector<1x8192xf32> to vector<1x128xf32>
    %add3A_1241 = vector.broadcast %broadcast_in_dim3A_791 : vector<128x1xf32> to vector<128x128xf32>
    %add3A_1242 = vector.broadcast %slice3A_1240 : vector<1x128xf32> to vector<128x128xf32>
    %add3A_1243 = arith.addf %add3A_1241, %add3A_1242 : vector<128x128xf32>
    %slice3A_1244 = vector.extract_strided_slice %dot_general3A_793 {offsets = [0, 4864], sizes = [128, 128], strides = [1, 1]} : vector<128x8192xf32> to vector<128x128xf32>
    %sub3A_1245 = arith.subf %add3A_1243, %slice3A_1244 : vector<128x128xf32>
    %lt3A_1246 = arith.cmpf olt, %sub3A_1245, %select_n3A_1236 : vector<128x128xf32>
    %select_n3A_1247 = arith.select %lt3A_1246, %sub3A_1245, %select_n3A_1236 : vector<128x128xi1>, vector<128x128xf32>
    %jit3A_1248 = arith.constant 6.000000e+00 : f32
    %broadcast_in_dim3A_1249 = vector.broadcast %jit3A_1248 : f32 to vector<128x128xf32>
    %select_n3A_1250 = arith.select %lt3A_1246, %broadcast_in_dim3A_1249, %select_n3A_1239 : vector<128x128xi1>, vector<128x128xf32>
    %slice3A_1251 = vector.extract_strided_slice %get3A_2 {offsets = [0, 4992], sizes = [1, 128], strides = [1, 1]} : vector<1x8192xf32> to vector<1x128xf32>
    %add3A_1252 = vector.broadcast %broadcast_in_dim3A_791 : vector<128x1xf32> to vector<128x128xf32>
    %add3A_1253 = vector.broadcast %slice3A_1251 : vector<1x128xf32> to vector<128x128xf32>
    %add3A_1254 = arith.addf %add3A_1252, %add3A_1253 : vector<128x128xf32>
    %slice3A_1255 = vector.extract_strided_slice %dot_general3A_793 {offsets = [0, 4992], sizes = [128, 128], strides = [1, 1]} : vector<128x8192xf32> to vector<128x128xf32>
    %sub3A_1256 = arith.subf %add3A_1254, %slice3A_1255 : vector<128x128xf32>
    %lt3A_1257 = arith.cmpf olt, %sub3A_1256, %select_n3A_1247 : vector<128x128xf32>
    %select_n3A_1258 = arith.select %lt3A_1257, %sub3A_1256, %select_n3A_1247 : vector<128x128xi1>, vector<128x128xf32>
    %jit3A_1259 = arith.constant 7.000000e+00 : f32
    %broadcast_in_dim3A_1260 = vector.broadcast %jit3A_1259 : f32 to vector<128x128xf32>
    %select_n3A_1261 = arith.select %lt3A_1257, %broadcast_in_dim3A_1260, %select_n3A_1250 : vector<128x128xi1>, vector<128x128xf32>
    %slice3A_1262 = vector.extract_strided_slice %get3A_2 {offsets = [0, 5120], sizes = [1, 128], strides = [1, 1]} : vector<1x8192xf32> to vector<1x128xf32>
    %add3A_1263 = vector.broadcast %broadcast_in_dim3A_791 : vector<128x1xf32> to vector<128x128xf32>
    %add3A_1264 = vector.broadcast %slice3A_1262 : vector<1x128xf32> to vector<128x128xf32>
    %add3A_1265 = arith.addf %add3A_1263, %add3A_1264 : vector<128x128xf32>
    %slice3A_1266 = vector.extract_strided_slice %dot_general3A_793 {offsets = [0, 5120], sizes = [128, 128], strides = [1, 1]} : vector<128x8192xf32> to vector<128x128xf32>
    %sub3A_1267 = arith.subf %add3A_1265, %slice3A_1266 : vector<128x128xf32>
    %lt3A_1268 = arith.cmpf olt, %sub3A_1267, %select_n3A_1258 : vector<128x128xf32>
    %select_n3A_1269 = arith.select %lt3A_1268, %sub3A_1267, %select_n3A_1258 : vector<128x128xi1>, vector<128x128xf32>
    %jit3A_1270 = arith.constant 8.000000e+00 : f32
    %broadcast_in_dim3A_1271 = vector.broadcast %jit3A_1270 : f32 to vector<128x128xf32>
    %select_n3A_1272 = arith.select %lt3A_1268, %broadcast_in_dim3A_1271, %select_n3A_1261 : vector<128x128xi1>, vector<128x128xf32>
    %slice3A_1273 = vector.extract_strided_slice %get3A_2 {offsets = [0, 5248], sizes = [1, 128], strides = [1, 1]} : vector<1x8192xf32> to vector<1x128xf32>
    %add3A_1274 = vector.broadcast %broadcast_in_dim3A_791 : vector<128x1xf32> to vector<128x128xf32>
    %add3A_1275 = vector.broadcast %slice3A_1273 : vector<1x128xf32> to vector<128x128xf32>
    %add3A_1276 = arith.addf %add3A_1274, %add3A_1275 : vector<128x128xf32>
    %slice3A_1277 = vector.extract_strided_slice %dot_general3A_793 {offsets = [0, 5248], sizes = [128, 128], strides = [1, 1]} : vector<128x8192xf32> to vector<128x128xf32>
    %sub3A_1278 = arith.subf %add3A_1276, %slice3A_1277 : vector<128x128xf32>
    %lt3A_1279 = arith.cmpf olt, %sub3A_1278, %select_n3A_1269 : vector<128x128xf32>
    %select_n3A_1280 = arith.select %lt3A_1279, %sub3A_1278, %select_n3A_1269 : vector<128x128xi1>, vector<128x128xf32>
    %jit3A_1281 = arith.constant 9.000000e+00 : f32
    %broadcast_in_dim3A_1282 = vector.broadcast %jit3A_1281 : f32 to vector<128x128xf32>
    %select_n3A_1283 = arith.select %lt3A_1279, %broadcast_in_dim3A_1282, %select_n3A_1272 : vector<128x128xi1>, vector<128x128xf32>
    %slice3A_1284 = vector.extract_strided_slice %get3A_2 {offsets = [0, 5376], sizes = [1, 128], strides = [1, 1]} : vector<1x8192xf32> to vector<1x128xf32>
    %add3A_1285 = vector.broadcast %broadcast_in_dim3A_791 : vector<128x1xf32> to vector<128x128xf32>
    %add3A_1286 = vector.broadcast %slice3A_1284 : vector<1x128xf32> to vector<128x128xf32>
    %add3A_1287 = arith.addf %add3A_1285, %add3A_1286 : vector<128x128xf32>
    %slice3A_1288 = vector.extract_strided_slice %dot_general3A_793 {offsets = [0, 5376], sizes = [128, 128], strides = [1, 1]} : vector<128x8192xf32> to vector<128x128xf32>
    %sub3A_1289 = arith.subf %add3A_1287, %slice3A_1288 : vector<128x128xf32>
    %lt3A_1290 = arith.cmpf olt, %sub3A_1289, %select_n3A_1280 : vector<128x128xf32>
    %select_n3A_1291 = arith.select %lt3A_1290, %sub3A_1289, %select_n3A_1280 : vector<128x128xi1>, vector<128x128xf32>
    %jit3A_1292 = arith.constant 1.000000e+01 : f32
    %broadcast_in_dim3A_1293 = vector.broadcast %jit3A_1292 : f32 to vector<128x128xf32>
    %select_n3A_1294 = arith.select %lt3A_1290, %broadcast_in_dim3A_1293, %select_n3A_1283 : vector<128x128xi1>, vector<128x128xf32>
    %slice3A_1295 = vector.extract_strided_slice %get3A_2 {offsets = [0, 5504], sizes = [1, 128], strides = [1, 1]} : vector<1x8192xf32> to vector<1x128xf32>
    %add3A_1296 = vector.broadcast %broadcast_in_dim3A_791 : vector<128x1xf32> to vector<128x128xf32>
    %add3A_1297 = vector.broadcast %slice3A_1295 : vector<1x128xf32> to vector<128x128xf32>
    %add3A_1298 = arith.addf %add3A_1296, %add3A_1297 : vector<128x128xf32>
    %slice3A_1299 = vector.extract_strided_slice %dot_general3A_793 {offsets = [0, 5504], sizes = [128, 128], strides = [1, 1]} : vector<128x8192xf32> to vector<128x128xf32>
    %sub3A_1300 = arith.subf %add3A_1298, %slice3A_1299 : vector<128x128xf32>
    %lt3A_1301 = arith.cmpf olt, %sub3A_1300, %select_n3A_1291 : vector<128x128xf32>
    %select_n3A_1302 = arith.select %lt3A_1301, %sub3A_1300, %select_n3A_1291 : vector<128x128xi1>, vector<128x128xf32>
    %jit3A_1303 = arith.constant 1.100000e+01 : f32
    %broadcast_in_dim3A_1304 = vector.broadcast %jit3A_1303 : f32 to vector<128x128xf32>
    %select_n3A_1305 = arith.select %lt3A_1301, %broadcast_in_dim3A_1304, %select_n3A_1294 : vector<128x128xi1>, vector<128x128xf32>
    %slice3A_1306 = vector.extract_strided_slice %get3A_2 {offsets = [0, 5632], sizes = [1, 128], strides = [1, 1]} : vector<1x8192xf32> to vector<1x128xf32>
    %add3A_1307 = vector.broadcast %broadcast_in_dim3A_791 : vector<128x1xf32> to vector<128x128xf32>
    %add3A_1308 = vector.broadcast %slice3A_1306 : vector<1x128xf32> to vector<128x128xf32>
    %add3A_1309 = arith.addf %add3A_1307, %add3A_1308 : vector<128x128xf32>
    %slice3A_1310 = vector.extract_strided_slice %dot_general3A_793 {offsets = [0, 5632], sizes = [128, 128], strides = [1, 1]} : vector<128x8192xf32> to vector<128x128xf32>
    %sub3A_1311 = arith.subf %add3A_1309, %slice3A_1310 : vector<128x128xf32>
    %lt3A_1312 = arith.cmpf olt, %sub3A_1311, %select_n3A_1302 : vector<128x128xf32>
    %select_n3A_1313 = arith.select %lt3A_1312, %sub3A_1311, %select_n3A_1302 : vector<128x128xi1>, vector<128x128xf32>
    %jit3A_1314 = arith.constant 1.200000e+01 : f32
    %broadcast_in_dim3A_1315 = vector.broadcast %jit3A_1314 : f32 to vector<128x128xf32>
    %select_n3A_1316 = arith.select %lt3A_1312, %broadcast_in_dim3A_1315, %select_n3A_1305 : vector<128x128xi1>, vector<128x128xf32>
    %slice3A_1317 = vector.extract_strided_slice %get3A_2 {offsets = [0, 5760], sizes = [1, 128], strides = [1, 1]} : vector<1x8192xf32> to vector<1x128xf32>
    %add3A_1318 = vector.broadcast %broadcast_in_dim3A_791 : vector<128x1xf32> to vector<128x128xf32>
    %add3A_1319 = vector.broadcast %slice3A_1317 : vector<1x128xf32> to vector<128x128xf32>
    %add3A_1320 = arith.addf %add3A_1318, %add3A_1319 : vector<128x128xf32>
    %slice3A_1321 = vector.extract_strided_slice %dot_general3A_793 {offsets = [0, 5760], sizes = [128, 128], strides = [1, 1]} : vector<128x8192xf32> to vector<128x128xf32>
    %sub3A_1322 = arith.subf %add3A_1320, %slice3A_1321 : vector<128x128xf32>
    %lt3A_1323 = arith.cmpf olt, %sub3A_1322, %select_n3A_1313 : vector<128x128xf32>
    %select_n3A_1324 = arith.select %lt3A_1323, %sub3A_1322, %select_n3A_1313 : vector<128x128xi1>, vector<128x128xf32>
    %jit3A_1325 = arith.constant 1.300000e+01 : f32
    %broadcast_in_dim3A_1326 = vector.broadcast %jit3A_1325 : f32 to vector<128x128xf32>
    %select_n3A_1327 = arith.select %lt3A_1323, %broadcast_in_dim3A_1326, %select_n3A_1316 : vector<128x128xi1>, vector<128x128xf32>
    %slice3A_1328 = vector.extract_strided_slice %get3A_2 {offsets = [0, 5888], sizes = [1, 128], strides = [1, 1]} : vector<1x8192xf32> to vector<1x128xf32>
    %add3A_1329 = vector.broadcast %broadcast_in_dim3A_791 : vector<128x1xf32> to vector<128x128xf32>
    %add3A_1330 = vector.broadcast %slice3A_1328 : vector<1x128xf32> to vector<128x128xf32>
    %add3A_1331 = arith.addf %add3A_1329, %add3A_1330 : vector<128x128xf32>
    %slice3A_1332 = vector.extract_strided_slice %dot_general3A_793 {offsets = [0, 5888], sizes = [128, 128], strides = [1, 1]} : vector<128x8192xf32> to vector<128x128xf32>
    %sub3A_1333 = arith.subf %add3A_1331, %slice3A_1332 : vector<128x128xf32>
    %lt3A_1334 = arith.cmpf olt, %sub3A_1333, %select_n3A_1324 : vector<128x128xf32>
    %select_n3A_1335 = arith.select %lt3A_1334, %sub3A_1333, %select_n3A_1324 : vector<128x128xi1>, vector<128x128xf32>
    %jit3A_1336 = arith.constant 1.400000e+01 : f32
    %broadcast_in_dim3A_1337 = vector.broadcast %jit3A_1336 : f32 to vector<128x128xf32>
    %select_n3A_1338 = arith.select %lt3A_1334, %broadcast_in_dim3A_1337, %select_n3A_1327 : vector<128x128xi1>, vector<128x128xf32>
    %slice3A_1339 = vector.extract_strided_slice %get3A_2 {offsets = [0, 6016], sizes = [1, 128], strides = [1, 1]} : vector<1x8192xf32> to vector<1x128xf32>
    %add3A_1340 = vector.broadcast %broadcast_in_dim3A_791 : vector<128x1xf32> to vector<128x128xf32>
    %add3A_1341 = vector.broadcast %slice3A_1339 : vector<1x128xf32> to vector<128x128xf32>
    %add3A_1342 = arith.addf %add3A_1340, %add3A_1341 : vector<128x128xf32>
    %slice3A_1343 = vector.extract_strided_slice %dot_general3A_793 {offsets = [0, 6016], sizes = [128, 128], strides = [1, 1]} : vector<128x8192xf32> to vector<128x128xf32>
    %sub3A_1344 = arith.subf %add3A_1342, %slice3A_1343 : vector<128x128xf32>
    %lt3A_1345 = arith.cmpf olt, %sub3A_1344, %select_n3A_1335 : vector<128x128xf32>
    %select_n3A_1346 = arith.select %lt3A_1345, %sub3A_1344, %select_n3A_1335 : vector<128x128xi1>, vector<128x128xf32>
    %jit3A_1347 = arith.constant 1.500000e+01 : f32
    %broadcast_in_dim3A_1348 = vector.broadcast %jit3A_1347 : f32 to vector<128x128xf32>
    %select_n3A_1349 = arith.select %lt3A_1345, %broadcast_in_dim3A_1348, %select_n3A_1338 : vector<128x128xi1>, vector<128x128xf32>
    %slice3A_1350 = vector.extract_strided_slice %get3A_2 {offsets = [0, 6144], sizes = [1, 128], strides = [1, 1]} : vector<1x8192xf32> to vector<1x128xf32>
    %add3A_1351 = vector.broadcast %broadcast_in_dim3A_791 : vector<128x1xf32> to vector<128x128xf32>
    %add3A_1352 = vector.broadcast %slice3A_1350 : vector<1x128xf32> to vector<128x128xf32>
    %add3A_1353 = arith.addf %add3A_1351, %add3A_1352 : vector<128x128xf32>
    %slice3A_1354 = vector.extract_strided_slice %dot_general3A_793 {offsets = [0, 6144], sizes = [128, 128], strides = [1, 1]} : vector<128x8192xf32> to vector<128x128xf32>
    %sub3A_1355 = arith.subf %add3A_1353, %slice3A_1354 : vector<128x128xf32>
    %lt3A_1356 = arith.cmpf olt, %sub3A_1355, %select_n3A_1346 : vector<128x128xf32>
    %select_n3A_1357 = arith.select %lt3A_1356, %sub3A_1355, %select_n3A_1346 : vector<128x128xi1>, vector<128x128xf32>
    %jit3A_1358 = arith.constant 1.600000e+01 : f32
    %broadcast_in_dim3A_1359 = vector.broadcast %jit3A_1358 : f32 to vector<128x128xf32>
    %select_n3A_1360 = arith.select %lt3A_1356, %broadcast_in_dim3A_1359, %select_n3A_1349 : vector<128x128xi1>, vector<128x128xf32>
    %slice3A_1361 = vector.extract_strided_slice %get3A_2 {offsets = [0, 6272], sizes = [1, 128], strides = [1, 1]} : vector<1x8192xf32> to vector<1x128xf32>
    %add3A_1362 = vector.broadcast %broadcast_in_dim3A_791 : vector<128x1xf32> to vector<128x128xf32>
    %add3A_1363 = vector.broadcast %slice3A_1361 : vector<1x128xf32> to vector<128x128xf32>
    %add3A_1364 = arith.addf %add3A_1362, %add3A_1363 : vector<128x128xf32>
    %slice3A_1365 = vector.extract_strided_slice %dot_general3A_793 {offsets = [0, 6272], sizes = [128, 128], strides = [1, 1]} : vector<128x8192xf32> to vector<128x128xf32>
    %sub3A_1366 = arith.subf %add3A_1364, %slice3A_1365 : vector<128x128xf32>
    %lt3A_1367 = arith.cmpf olt, %sub3A_1366, %select_n3A_1357 : vector<128x128xf32>
    %select_n3A_1368 = arith.select %lt3A_1367, %sub3A_1366, %select_n3A_1357 : vector<128x128xi1>, vector<128x128xf32>
    %jit3A_1369 = arith.constant 1.700000e+01 : f32
    %broadcast_in_dim3A_1370 = vector.broadcast %jit3A_1369 : f32 to vector<128x128xf32>
    %select_n3A_1371 = arith.select %lt3A_1367, %broadcast_in_dim3A_1370, %select_n3A_1360 : vector<128x128xi1>, vector<128x128xf32>
    %slice3A_1372 = vector.extract_strided_slice %get3A_2 {offsets = [0, 6400], sizes = [1, 128], strides = [1, 1]} : vector<1x8192xf32> to vector<1x128xf32>
    %add3A_1373 = vector.broadcast %broadcast_in_dim3A_791 : vector<128x1xf32> to vector<128x128xf32>
    %add3A_1374 = vector.broadcast %slice3A_1372 : vector<1x128xf32> to vector<128x128xf32>
    %add3A_1375 = arith.addf %add3A_1373, %add3A_1374 : vector<128x128xf32>
    %slice3A_1376 = vector.extract_strided_slice %dot_general3A_793 {offsets = [0, 6400], sizes = [128, 128], strides = [1, 1]} : vector<128x8192xf32> to vector<128x128xf32>
    %sub3A_1377 = arith.subf %add3A_1375, %slice3A_1376 : vector<128x128xf32>
    %lt3A_1378 = arith.cmpf olt, %sub3A_1377, %select_n3A_1368 : vector<128x128xf32>
    %select_n3A_1379 = arith.select %lt3A_1378, %sub3A_1377, %select_n3A_1368 : vector<128x128xi1>, vector<128x128xf32>
    %jit3A_1380 = arith.constant 1.800000e+01 : f32
    %broadcast_in_dim3A_1381 = vector.broadcast %jit3A_1380 : f32 to vector<128x128xf32>
    %select_n3A_1382 = arith.select %lt3A_1378, %broadcast_in_dim3A_1381, %select_n3A_1371 : vector<128x128xi1>, vector<128x128xf32>
    %slice3A_1383 = vector.extract_strided_slice %get3A_2 {offsets = [0, 6528], sizes = [1, 128], strides = [1, 1]} : vector<1x8192xf32> to vector<1x128xf32>
    %add3A_1384 = vector.broadcast %broadcast_in_dim3A_791 : vector<128x1xf32> to vector<128x128xf32>
    %add3A_1385 = vector.broadcast %slice3A_1383 : vector<1x128xf32> to vector<128x128xf32>
    %add3A_1386 = arith.addf %add3A_1384, %add3A_1385 : vector<128x128xf32>
    %slice3A_1387 = vector.extract_strided_slice %dot_general3A_793 {offsets = [0, 6528], sizes = [128, 128], strides = [1, 1]} : vector<128x8192xf32> to vector<128x128xf32>
    %sub3A_1388 = arith.subf %add3A_1386, %slice3A_1387 : vector<128x128xf32>
    %lt3A_1389 = arith.cmpf olt, %sub3A_1388, %select_n3A_1379 : vector<128x128xf32>
    %select_n3A_1390 = arith.select %lt3A_1389, %sub3A_1388, %select_n3A_1379 : vector<128x128xi1>, vector<128x128xf32>
    %jit3A_1391 = arith.constant 1.900000e+01 : f32
    %broadcast_in_dim3A_1392 = vector.broadcast %jit3A_1391 : f32 to vector<128x128xf32>
    %select_n3A_1393 = arith.select %lt3A_1389, %broadcast_in_dim3A_1392, %select_n3A_1382 : vector<128x128xi1>, vector<128x128xf32>
    %slice3A_1394 = vector.extract_strided_slice %get3A_2 {offsets = [0, 6656], sizes = [1, 128], strides = [1, 1]} : vector<1x8192xf32> to vector<1x128xf32>
    %add3A_1395 = vector.broadcast %broadcast_in_dim3A_791 : vector<128x1xf32> to vector<128x128xf32>
    %add3A_1396 = vector.broadcast %slice3A_1394 : vector<1x128xf32> to vector<128x128xf32>
    %add3A_1397 = arith.addf %add3A_1395, %add3A_1396 : vector<128x128xf32>
    %slice3A_1398 = vector.extract_strided_slice %dot_general3A_793 {offsets = [0, 6656], sizes = [128, 128], strides = [1, 1]} : vector<128x8192xf32> to vector<128x128xf32>
    %sub3A_1399 = arith.subf %add3A_1397, %slice3A_1398 : vector<128x128xf32>
    %lt3A_1400 = arith.cmpf olt, %sub3A_1399, %select_n3A_1390 : vector<128x128xf32>
    %select_n3A_1401 = arith.select %lt3A_1400, %sub3A_1399, %select_n3A_1390 : vector<128x128xi1>, vector<128x128xf32>
    %jit3A_1402 = arith.constant 2.000000e+01 : f32
    %broadcast_in_dim3A_1403 = vector.broadcast %jit3A_1402 : f32 to vector<128x128xf32>
    %select_n3A_1404 = arith.select %lt3A_1400, %broadcast_in_dim3A_1403, %select_n3A_1393 : vector<128x128xi1>, vector<128x128xf32>
    %slice3A_1405 = vector.extract_strided_slice %get3A_2 {offsets = [0, 6784], sizes = [1, 128], strides = [1, 1]} : vector<1x8192xf32> to vector<1x128xf32>
    %add3A_1406 = vector.broadcast %broadcast_in_dim3A_791 : vector<128x1xf32> to vector<128x128xf32>
    %add3A_1407 = vector.broadcast %slice3A_1405 : vector<1x128xf32> to vector<128x128xf32>
    %add3A_1408 = arith.addf %add3A_1406, %add3A_1407 : vector<128x128xf32>
    %slice3A_1409 = vector.extract_strided_slice %dot_general3A_793 {offsets = [0, 6784], sizes = [128, 128], strides = [1, 1]} : vector<128x8192xf32> to vector<128x128xf32>
    %sub3A_1410 = arith.subf %add3A_1408, %slice3A_1409 : vector<128x128xf32>
    %lt3A_1411 = arith.cmpf olt, %sub3A_1410, %select_n3A_1401 : vector<128x128xf32>
    %select_n3A_1412 = arith.select %lt3A_1411, %sub3A_1410, %select_n3A_1401 : vector<128x128xi1>, vector<128x128xf32>
    %jit3A_1413 = arith.constant 2.100000e+01 : f32
    %broadcast_in_dim3A_1414 = vector.broadcast %jit3A_1413 : f32 to vector<128x128xf32>
    %select_n3A_1415 = arith.select %lt3A_1411, %broadcast_in_dim3A_1414, %select_n3A_1404 : vector<128x128xi1>, vector<128x128xf32>
    %slice3A_1416 = vector.extract_strided_slice %get3A_2 {offsets = [0, 6912], sizes = [1, 128], strides = [1, 1]} : vector<1x8192xf32> to vector<1x128xf32>
    %add3A_1417 = vector.broadcast %broadcast_in_dim3A_791 : vector<128x1xf32> to vector<128x128xf32>
    %add3A_1418 = vector.broadcast %slice3A_1416 : vector<1x128xf32> to vector<128x128xf32>
    %add3A_1419 = arith.addf %add3A_1417, %add3A_1418 : vector<128x128xf32>
    %slice3A_1420 = vector.extract_strided_slice %dot_general3A_793 {offsets = [0, 6912], sizes = [128, 128], strides = [1, 1]} : vector<128x8192xf32> to vector<128x128xf32>
    %sub3A_1421 = arith.subf %add3A_1419, %slice3A_1420 : vector<128x128xf32>
    %lt3A_1422 = arith.cmpf olt, %sub3A_1421, %select_n3A_1412 : vector<128x128xf32>
    %select_n3A_1423 = arith.select %lt3A_1422, %sub3A_1421, %select_n3A_1412 : vector<128x128xi1>, vector<128x128xf32>
    %jit3A_1424 = arith.constant 2.200000e+01 : f32
    %broadcast_in_dim3A_1425 = vector.broadcast %jit3A_1424 : f32 to vector<128x128xf32>
    %select_n3A_1426 = arith.select %lt3A_1422, %broadcast_in_dim3A_1425, %select_n3A_1415 : vector<128x128xi1>, vector<128x128xf32>
    %slice3A_1427 = vector.extract_strided_slice %get3A_2 {offsets = [0, 7040], sizes = [1, 128], strides = [1, 1]} : vector<1x8192xf32> to vector<1x128xf32>
    %add3A_1428 = vector.broadcast %broadcast_in_dim3A_791 : vector<128x1xf32> to vector<128x128xf32>
    %add3A_1429 = vector.broadcast %slice3A_1427 : vector<1x128xf32> to vector<128x128xf32>
    %add3A_1430 = arith.addf %add3A_1428, %add3A_1429 : vector<128x128xf32>
    %slice3A_1431 = vector.extract_strided_slice %dot_general3A_793 {offsets = [0, 7040], sizes = [128, 128], strides = [1, 1]} : vector<128x8192xf32> to vector<128x128xf32>
    %sub3A_1432 = arith.subf %add3A_1430, %slice3A_1431 : vector<128x128xf32>
    %lt3A_1433 = arith.cmpf olt, %sub3A_1432, %select_n3A_1423 : vector<128x128xf32>
    %select_n3A_1434 = arith.select %lt3A_1433, %sub3A_1432, %select_n3A_1423 : vector<128x128xi1>, vector<128x128xf32>
    %jit3A_1435 = arith.constant 2.300000e+01 : f32
    %broadcast_in_dim3A_1436 = vector.broadcast %jit3A_1435 : f32 to vector<128x128xf32>
    %select_n3A_1437 = arith.select %lt3A_1433, %broadcast_in_dim3A_1436, %select_n3A_1426 : vector<128x128xi1>, vector<128x128xf32>
    %slice3A_1438 = vector.extract_strided_slice %get3A_2 {offsets = [0, 7168], sizes = [1, 128], strides = [1, 1]} : vector<1x8192xf32> to vector<1x128xf32>
    %add3A_1439 = vector.broadcast %broadcast_in_dim3A_791 : vector<128x1xf32> to vector<128x128xf32>
    %add3A_1440 = vector.broadcast %slice3A_1438 : vector<1x128xf32> to vector<128x128xf32>
    %add3A_1441 = arith.addf %add3A_1439, %add3A_1440 : vector<128x128xf32>
    %slice3A_1442 = vector.extract_strided_slice %dot_general3A_793 {offsets = [0, 7168], sizes = [128, 128], strides = [1, 1]} : vector<128x8192xf32> to vector<128x128xf32>
    %sub3A_1443 = arith.subf %add3A_1441, %slice3A_1442 : vector<128x128xf32>
    %lt3A_1444 = arith.cmpf olt, %sub3A_1443, %select_n3A_1434 : vector<128x128xf32>
    %select_n3A_1445 = arith.select %lt3A_1444, %sub3A_1443, %select_n3A_1434 : vector<128x128xi1>, vector<128x128xf32>
    %jit3A_1446 = arith.constant 2.400000e+01 : f32
    %broadcast_in_dim3A_1447 = vector.broadcast %jit3A_1446 : f32 to vector<128x128xf32>
    %select_n3A_1448 = arith.select %lt3A_1444, %broadcast_in_dim3A_1447, %select_n3A_1437 : vector<128x128xi1>, vector<128x128xf32>
    %slice3A_1449 = vector.extract_strided_slice %get3A_2 {offsets = [0, 7296], sizes = [1, 128], strides = [1, 1]} : vector<1x8192xf32> to vector<1x128xf32>
    %add3A_1450 = vector.broadcast %broadcast_in_dim3A_791 : vector<128x1xf32> to vector<128x128xf32>
    %add3A_1451 = vector.broadcast %slice3A_1449 : vector<1x128xf32> to vector<128x128xf32>
    %add3A_1452 = arith.addf %add3A_1450, %add3A_1451 : vector<128x128xf32>
    %slice3A_1453 = vector.extract_strided_slice %dot_general3A_793 {offsets = [0, 7296], sizes = [128, 128], strides = [1, 1]} : vector<128x8192xf32> to vector<128x128xf32>
    %sub3A_1454 = arith.subf %add3A_1452, %slice3A_1453 : vector<128x128xf32>
    %lt3A_1455 = arith.cmpf olt, %sub3A_1454, %select_n3A_1445 : vector<128x128xf32>
    %select_n3A_1456 = arith.select %lt3A_1455, %sub3A_1454, %select_n3A_1445 : vector<128x128xi1>, vector<128x128xf32>
    %jit3A_1457 = arith.constant 2.500000e+01 : f32
    %broadcast_in_dim3A_1458 = vector.broadcast %jit3A_1457 : f32 to vector<128x128xf32>
    %select_n3A_1459 = arith.select %lt3A_1455, %broadcast_in_dim3A_1458, %select_n3A_1448 : vector<128x128xi1>, vector<128x128xf32>
    %slice3A_1460 = vector.extract_strided_slice %get3A_2 {offsets = [0, 7424], sizes = [1, 128], strides = [1, 1]} : vector<1x8192xf32> to vector<1x128xf32>
    %add3A_1461 = vector.broadcast %broadcast_in_dim3A_791 : vector<128x1xf32> to vector<128x128xf32>
    %add3A_1462 = vector.broadcast %slice3A_1460 : vector<1x128xf32> to vector<128x128xf32>
    %add3A_1463 = arith.addf %add3A_1461, %add3A_1462 : vector<128x128xf32>
    %slice3A_1464 = vector.extract_strided_slice %dot_general3A_793 {offsets = [0, 7424], sizes = [128, 128], strides = [1, 1]} : vector<128x8192xf32> to vector<128x128xf32>
    %sub3A_1465 = arith.subf %add3A_1463, %slice3A_1464 : vector<128x128xf32>
    %lt3A_1466 = arith.cmpf olt, %sub3A_1465, %select_n3A_1456 : vector<128x128xf32>
    %select_n3A_1467 = arith.select %lt3A_1466, %sub3A_1465, %select_n3A_1456 : vector<128x128xi1>, vector<128x128xf32>
    %jit3A_1468 = arith.constant 2.600000e+01 : f32
    %broadcast_in_dim3A_1469 = vector.broadcast %jit3A_1468 : f32 to vector<128x128xf32>
    %select_n3A_1470 = arith.select %lt3A_1466, %broadcast_in_dim3A_1469, %select_n3A_1459 : vector<128x128xi1>, vector<128x128xf32>
    %slice3A_1471 = vector.extract_strided_slice %get3A_2 {offsets = [0, 7552], sizes = [1, 128], strides = [1, 1]} : vector<1x8192xf32> to vector<1x128xf32>
    %add3A_1472 = vector.broadcast %broadcast_in_dim3A_791 : vector<128x1xf32> to vector<128x128xf32>
    %add3A_1473 = vector.broadcast %slice3A_1471 : vector<1x128xf32> to vector<128x128xf32>
    %add3A_1474 = arith.addf %add3A_1472, %add3A_1473 : vector<128x128xf32>
    %slice3A_1475 = vector.extract_strided_slice %dot_general3A_793 {offsets = [0, 7552], sizes = [128, 128], strides = [1, 1]} : vector<128x8192xf32> to vector<128x128xf32>
    %sub3A_1476 = arith.subf %add3A_1474, %slice3A_1475 : vector<128x128xf32>
    %lt3A_1477 = arith.cmpf olt, %sub3A_1476, %select_n3A_1467 : vector<128x128xf32>
    %select_n3A_1478 = arith.select %lt3A_1477, %sub3A_1476, %select_n3A_1467 : vector<128x128xi1>, vector<128x128xf32>
    %jit3A_1479 = arith.constant 2.700000e+01 : f32
    %broadcast_in_dim3A_1480 = vector.broadcast %jit3A_1479 : f32 to vector<128x128xf32>
    %select_n3A_1481 = arith.select %lt3A_1477, %broadcast_in_dim3A_1480, %select_n3A_1470 : vector<128x128xi1>, vector<128x128xf32>
    %slice3A_1482 = vector.extract_strided_slice %get3A_2 {offsets = [0, 7680], sizes = [1, 128], strides = [1, 1]} : vector<1x8192xf32> to vector<1x128xf32>
    %add3A_1483 = vector.broadcast %broadcast_in_dim3A_791 : vector<128x1xf32> to vector<128x128xf32>
    %add3A_1484 = vector.broadcast %slice3A_1482 : vector<1x128xf32> to vector<128x128xf32>
    %add3A_1485 = arith.addf %add3A_1483, %add3A_1484 : vector<128x128xf32>
    %slice3A_1486 = vector.extract_strided_slice %dot_general3A_793 {offsets = [0, 7680], sizes = [128, 128], strides = [1, 1]} : vector<128x8192xf32> to vector<128x128xf32>
    %sub3A_1487 = arith.subf %add3A_1485, %slice3A_1486 : vector<128x128xf32>
    %lt3A_1488 = arith.cmpf olt, %sub3A_1487, %select_n3A_1478 : vector<128x128xf32>
    %select_n3A_1489 = arith.select %lt3A_1488, %sub3A_1487, %select_n3A_1478 : vector<128x128xi1>, vector<128x128xf32>
    %jit3A_1490 = arith.constant 2.800000e+01 : f32
    %broadcast_in_dim3A_1491 = vector.broadcast %jit3A_1490 : f32 to vector<128x128xf32>
    %select_n3A_1492 = arith.select %lt3A_1488, %broadcast_in_dim3A_1491, %select_n3A_1481 : vector<128x128xi1>, vector<128x128xf32>
    %slice3A_1493 = vector.extract_strided_slice %get3A_2 {offsets = [0, 7808], sizes = [1, 128], strides = [1, 1]} : vector<1x8192xf32> to vector<1x128xf32>
    %add3A_1494 = vector.broadcast %broadcast_in_dim3A_791 : vector<128x1xf32> to vector<128x128xf32>
    %add3A_1495 = vector.broadcast %slice3A_1493 : vector<1x128xf32> to vector<128x128xf32>
    %add3A_1496 = arith.addf %add3A_1494, %add3A_1495 : vector<128x128xf32>
    %slice3A_1497 = vector.extract_strided_slice %dot_general3A_793 {offsets = [0, 7808], sizes = [128, 128], strides = [1, 1]} : vector<128x8192xf32> to vector<128x128xf32>
    %sub3A_1498 = arith.subf %add3A_1496, %slice3A_1497 : vector<128x128xf32>
    %lt3A_1499 = arith.cmpf olt, %sub3A_1498, %select_n3A_1489 : vector<128x128xf32>
    %select_n3A_1500 = arith.select %lt3A_1499, %sub3A_1498, %select_n3A_1489 : vector<128x128xi1>, vector<128x128xf32>
    %jit3A_1501 = arith.constant 2.900000e+01 : f32
    %broadcast_in_dim3A_1502 = vector.broadcast %jit3A_1501 : f32 to vector<128x128xf32>
    %select_n3A_1503 = arith.select %lt3A_1499, %broadcast_in_dim3A_1502, %select_n3A_1492 : vector<128x128xi1>, vector<128x128xf32>
    %slice3A_1504 = vector.extract_strided_slice %get3A_2 {offsets = [0, 7936], sizes = [1, 128], strides = [1, 1]} : vector<1x8192xf32> to vector<1x128xf32>
    %add3A_1505 = vector.broadcast %broadcast_in_dim3A_791 : vector<128x1xf32> to vector<128x128xf32>
    %add3A_1506 = vector.broadcast %slice3A_1504 : vector<1x128xf32> to vector<128x128xf32>
    %add3A_1507 = arith.addf %add3A_1505, %add3A_1506 : vector<128x128xf32>
    %slice3A_1508 = vector.extract_strided_slice %dot_general3A_793 {offsets = [0, 7936], sizes = [128, 128], strides = [1, 1]} : vector<128x8192xf32> to vector<128x128xf32>
    %sub3A_1509 = arith.subf %add3A_1507, %slice3A_1508 : vector<128x128xf32>
    %lt3A_1510 = arith.cmpf olt, %sub3A_1509, %select_n3A_1500 : vector<128x128xf32>
    %select_n3A_1511 = arith.select %lt3A_1510, %sub3A_1509, %select_n3A_1500 : vector<128x128xi1>, vector<128x128xf32>
    %jit3A_1512 = arith.constant 3.000000e+01 : f32
    %broadcast_in_dim3A_1513 = vector.broadcast %jit3A_1512 : f32 to vector<128x128xf32>
    %select_n3A_1514 = arith.select %lt3A_1510, %broadcast_in_dim3A_1513, %select_n3A_1503 : vector<128x128xi1>, vector<128x128xf32>
    %slice3A_1515 = vector.extract_strided_slice %get3A_2 {offsets = [0, 8064], sizes = [1, 128], strides = [1, 1]} : vector<1x8192xf32> to vector<1x128xf32>
    %add3A_1516 = vector.broadcast %broadcast_in_dim3A_791 : vector<128x1xf32> to vector<128x128xf32>
    %add3A_1517 = vector.broadcast %slice3A_1515 : vector<1x128xf32> to vector<128x128xf32>
    %add3A_1518 = arith.addf %add3A_1516, %add3A_1517 : vector<128x128xf32>
    %slice3A_1519 = vector.extract_strided_slice %dot_general3A_793 {offsets = [0, 8064], sizes = [128, 128], strides = [1, 1]} : vector<128x8192xf32> to vector<128x128xf32>
    %sub3A_1520 = arith.subf %add3A_1518, %slice3A_1519 : vector<128x128xf32>
    %lt3A_1521 = arith.cmpf olt, %sub3A_1520, %select_n3A_1511 : vector<128x128xf32>
    %select_n3A_1522 = arith.select %lt3A_1521, %sub3A_1520, %select_n3A_1511 : vector<128x128xi1>, vector<128x128xf32>
    %jit3A_1523 = arith.constant 3.100000e+01 : f32
    %broadcast_in_dim3A_1524 = vector.broadcast %jit3A_1523 : f32 to vector<128x128xf32>
    %select_n3A_1525 = arith.select %lt3A_1521, %broadcast_in_dim3A_1524, %select_n3A_1514 : vector<128x128xi1>, vector<128x128xf32>
    %iota3A_1526 = tpu.iota {dimensions = array<i32: 1>} : vector<128x128xi32>
    %convert_element_type3A_1527 = arith.sitofp %iota3A_1526 : vector<128x128xi32> to vector<128x128xf32>
    %mul3A_1528 = arith.constant 1.280000e+02 : f32
    %mul3A_1529 = vector.broadcast %mul3A_1528 : f32 to vector<128x128xf32>
    %mul3A_1530 = arith.mulf %select_n3A_1525, %mul3A_1529 : vector<128x128xf32>
    %add3A_1531 = arith.addf %mul3A_1530, %convert_element_type3A_1527 : vector<128x128xf32>
    %add3A_1532 = arith.constant 4.096000e+03 : f32
    %add3A_1533 = vector.broadcast %add3A_1532 : f32 to vector<128x128xf32>
    %add3A_1534 = arith.addf %add3A_1531, %add3A_1533 : vector<128x128xf32>
    %reduce_min3A_1535 = arith.constant dense<0x7F800000> : vector<128xf32>
    %reduce_min3A_1536 = vector.multi_reduction <minimumf>, %select_n3A_1522, %reduce_min3A_1535 [1] : vector<128x128xf32> to vector<128xf32>
    %broadcast_in_dim3A_1537 = vector.shape_cast %reduce_min3A_1536 : vector<128xf32> to vector<128x1xf32>
    %eq3A_1538 = vector.broadcast %broadcast_in_dim3A_1537 : vector<128x1xf32> to vector<128x128xf32>
    %eq3A_1539 = arith.cmpf oeq, %select_n3A_1522, %eq3A_1538 : vector<128x128xf32>
    %jit3A_1540 = arith.constant 8.192000e+03 : f32
    %broadcast_in_dim3A_1541 = vector.broadcast %jit3A_1540 : f32 to vector<128x128xf32>
    %select_n3A_1542 = arith.select %eq3A_1539, %add3A_1534, %broadcast_in_dim3A_1541 : vector<128x128xi1>, vector<128x128xf32>
    %reduce_min3A_1543 = arith.constant dense<0x7F800000> : vector<128xf32>
    %reduce_min3A_1544 = vector.multi_reduction <minimumf>, %select_n3A_1542, %reduce_min3A_1543 [1] : vector<128x128xf32> to vector<128xf32>
    %broadcast_in_dim3A_1545 = vector.shape_cast %reduce_min3A_1544 : vector<128xf32> to vector<128x1xf32>
    %convert_element_type3A_1546 = arith.truncf %broadcast_in_dim3A_1161 : vector<128x1xf32> to vector<128x1xbf16>
    %convert_element_type3A_1547 = arith.extf %convert_element_type3A_1546 : vector<128x1xbf16> to vector<128x1xf32>
    %lt3A_1548 = arith.cmpf olt, %broadcast_in_dim3A_1537, %convert_element_type3A_1547 : vector<128x1xf32>
    %select_n3A_1549 = arith.select %lt3A_1548, %broadcast_in_dim3A_1545, %broadcast_in_dim3A_1169 : vector<128x1xi1>, vector<128x1xf32>
    %convert_element_type3A_1550 = arith.fptosi %select_n3A_1549 : vector<128x1xf32> to vector<128x1xi32>
    %select_n3A_1551 = arith.select %lt3A_1548, %broadcast_in_dim3A_1537, %broadcast_in_dim3A_1161 : vector<128x1xi1>, vector<128x1xf32>
    %reduce_sum3A_1552 = vector.shape_cast %select_n3A_1551 : vector<128x1xf32> to vector<1x128x1xf32>
    %reduce_sum3A_1553 = arith.constant dense<0.000000e+00> : vector<1xf32>
    %reduce_sum3A_1554 = vector.multi_reduction <add>, %reduce_sum3A_1552, %reduce_sum3A_1553 [1, 2] : vector<1x128x1xf32> to vector<1xf32>
    %reduce_sum3A_1555 = vector.shape_cast %reduce_sum3A_1554 : vector<1xf32> to vector<1x1x1xf32>
    %reduce_sum3A_1556 = vector.extract %reduce_sum3A_1555[0, 0, 0] : f32 from vector<1x1x1xf32>
    %broadcast_in_dim3A_1557 = vector.broadcast %reduce_sum3A_1556 : f32 to vector<1x1xf32>
    %reshape3A_1558 = vector.shape_cast %convert_element_type3A_1550 : vector<128x1xi32> to vector<1x128xi32>
    %swap3A_1559 = arith.constant 0 : index
    %swap3A_1560 = arith.constant 1 : index
    %swap3A_1561 = arith.constant 0 : index
    %swap3A_1562 = arith.constant 0 : index
    %swap3A_1563 = vector.load %arg4[%swap3A_1559, %swap3A_1560, %swap3A_1561, %swap3A_1562] : memref<1x2x1x128xi32, #tpu.memory_space<vmem>>, vector<1x1x1x128xi32>
    %swap3A_1564 = vector.shape_cast %swap3A_1563 : vector<1x1x1x128xi32> to vector<1x128xi32>
    %swap3A_1565 = vector.shape_cast %reshape3A_1558 : vector<1x128xi32> to vector<1x1x1x128xi32>
    tpu.vector_store %arg4[%swap3A_1559, %swap3A_1560, %swap3A_1561, %swap3A_1562], %swap3A_1565 {strides = array<i32>} : memref<1x2x1x128xi32, #tpu.memory_space<vmem>>, vector<1x1x1x128xi32>,
    %add3A_1566 = arith.addf %add3A_779, %broadcast_in_dim3A_1557 : vector<1x1xf32>
    %eq3A_1567 = arith.constant 0 : i32
    %eq3A_1568 = arith.cmpi eq, %arg0, %eq3A_1567 : i32
    %get3A_1569 = arith.constant 0 : index
    %get3A_1570 = arith.constant 0 : index
    %get3A_1571 = arith.constant 0 : index
    %get3A_1572 = vector.load %arg5[%get3A_1569, %get3A_1570, %get3A_1571] : memref<1x1x1xf32, #tpu.memory_space<vmem>>, vector<1x1x1xf32>
    %jit3A_1573 = arith.constant 0.000000e+00 : f32
    %broadcast_in_dim3A_1574 = vector.broadcast %jit3A_1573 : f32 to vector<1x1x1xf32>
    %select_n3A_1575 = arith.select %eq3A_1568, %broadcast_in_dim3A_1574, %get3A_1572 : vector<1x1x1xf32>
    %reshape3A_1576 = vector.shape_cast %add3A_1566 : vector<1x1xf32> to vector<1x1x1xf32>
    %add3A_1577 = arith.addf %select_n3A_1575, %reshape3A_1576 : vector<1x1x1xf32>
    %mul3A_1578 = arith.constant 1.90734863E-6 : f32
    %mul3A_1579 = vector.broadcast %mul3A_1578 : f32 to vector<1x1x1xf32>
    %mul3A_1580 = arith.mulf %add3A_1577, %mul3A_1579 : vector<1x1x1xf32>
    %select_n3A_1581 = arith.select %eq3A_0, %mul3A_1580, %add3A_1577 : vector<1x1x1xf32>
    %swap3A_1582 = arith.constant 0 : index
    %swap3A_1583 = arith.constant 0 : index
    %swap3A_1584 = arith.constant 0 : index
    %swap3A_1585 = vector.load %arg5[%swap3A_1582, %swap3A_1583, %swap3A_1584] : memref<1x1x1xf32, #tpu.memory_space<vmem>>, vector<1x1x1xf32>
    tpu.vector_store %arg5[%swap3A_1582, %swap3A_1583, %swap3A_1584], %select_n3A_1581 {strides = array<i32>} : memref<1x1x1xf32, #tpu.memory_space<vmem>>, vector<1x1x1xf32>,
    %mul3A_1586 = arith.constant 4.76837158E-7 : f32
    %mul3A_1587 = vector.broadcast %mul3A_1586 : f32 to vector<1x1x1xf32>
    %mul3A_1588 = arith.mulf %add3A_1577, %mul3A_1587 : vector<1x1x1xf32>
    %swap3A_1589 = arith.constant 0 : index
    %swap3A_1590 = arith.constant 0 : index
    %swap3A_1591 = arith.constant 0 : index
    %swap3A_1592 = vector.load %arg6[%swap3A_1589, %swap3A_1590, %swap3A_1591] : memref<1x1x1xf32, #tpu.memory_space<vmem>>, vector<1x1x1xf32>
    tpu.vector_store %arg6[%swap3A_1589, %swap3A_1590, %swap3A_1591], %mul3A_1588 {strides = array<i32>} : memref<1x1x1xf32, #tpu.memory_space<vmem>>, vector<1x1x1xf32>,
    return
  }
  func.func @transform_0(%arg0: i32) -> (i32, i32) {
    %c0_i32 = arith.constant 0 : i32
    %c0_i32_0 = arith.constant 0 : i32
    %c0_i32_1 = arith.constant 0 : i32
    return %c0_i32, %c0_i32_0 : i32, i32
  }
  func.func @transform_1(%arg0: i32) -> (i32, i32) {
    %c0_i32 = arith.constant 0 : i32
    %c0_i32_0 = arith.constant 0 : i32
    return %arg0, %c0_i32 : i32, i32
  }
  func.func @transform_2(%arg0: i32) -> (i32, i32) {
    %c0_i32 = arith.constant 0 : i32
    %c0_i32_0 = arith.constant 0 : i32
    %c0_i32_1 = arith.constant 0 : i32
    return %c0_i32, %c0_i32_0 : i32, i32
  }
  func.func @transform_3(%arg0: i32) -> (i32, i32, i32, i32) {
    %jit3A = arith.constant 2 : i32
    %div3A = arith.divsi %arg0, %jit3A : i32
    %sign3A = arith.constant 0 : i32
    %sign3A_0 = arith.cmpi sgt, %arg0, %sign3A : i32
    %sign3A_1 = arith.extui %sign3A_0 : i1 to i32
    %sign3A_2 = arith.constant 0 : i32
    %sign3A_3 = arith.cmpi slt, %arg0, %sign3A_2 : i32
    %sign3A_4 = arith.extui %sign3A_3 : i1 to i32
    %sign3A_5 = arith.subi %sign3A_1, %sign3A_4 : i32
    %sign3A_6 = arith.constant 0 : i32
    %sign3A_7 = arith.cmpi sgt, %jit3A, %sign3A_6 : i32
    %sign3A_8 = arith.extui %sign3A_7 : i1 to i32
    %sign3A_9 = arith.constant 0 : i32
    %sign3A_10 = arith.cmpi slt, %jit3A, %sign3A_9 : i32
    %sign3A_11 = arith.extui %sign3A_10 : i1 to i32
    %sign3A_12 = arith.subi %sign3A_8, %sign3A_11 : i32
    %ne3A = arith.cmpi ne, %sign3A_5, %sign3A_12 : i32
    %rem3A = arith.remsi %arg0, %jit3A : i32
    %ne3A_13 = arith.constant 0 : i32
    %ne3A_14 = arith.cmpi ne, %rem3A, %ne3A_13 : i32
    %and3A = arith.andi %ne3A, %ne3A_14 : i1
    %sub3A = arith.constant 1 : i32
    %sub3A_15 = arith.subi %div3A, %sub3A : i32
    %select_n3A = arith.select %and3A, %sub3A_15, %div3A : i32
    %jit3A_16 = arith.constant 2 : i32
    %eq3A = arith.constant 0 : i32
    %eq3A_17 = arith.cmpi eq, %jit3A_16, %eq3A : i32
    %jit3A_18 = arith.constant 1 : i32
    %select_n3A_19 = arith.select %eq3A_17, %jit3A_18, %jit3A_16 : i32
    %rem3A_20 = arith.remsi %arg0, %select_n3A_19 : i32
    %ne3A_21 = arith.constant 0 : i32
    %ne3A_22 = arith.cmpi ne, %rem3A_20, %ne3A_21 : i32
    %lt3A = arith.constant 0 : i32
    %lt3A_23 = arith.cmpi slt, %rem3A_20, %lt3A : i32
    %lt3A_24 = arith.constant 0 : i32
    %lt3A_25 = arith.cmpi slt, %select_n3A_19, %lt3A_24 : i32
    %ne3A_26 = arith.xori %lt3A_23, %lt3A_25 : i1
    %and3A_27 = arith.andi %ne3A_26, %ne3A_22 : i1
    %add3A = arith.addi %rem3A_20, %select_n3A_19 : i32
    %select_n3A_28 = arith.select %and3A_27, %add3A, %rem3A_20 : i32
    %c0_i32 = arith.constant 0 : i32
    %c0_i32_29 = arith.constant 0 : i32
    %c0_i32_30 = arith.constant 0 : i32
    return %select_n3A, %select_n3A_28, %c0_i32, %c0_i32_29 : i32, i32, i32, i32
  }
  func.func @transform_4(%arg0: i32) -> (i32, i32, i32) {
    %c0_i32 = arith.constant 0 : i32
    %c0_i32_0 = arith.constant 0 : i32
    %c0_i32_1 = arith.constant 0 : i32
    %c0_i32_2 = arith.constant 0 : i32
    return %c0_i32, %c0_i32_0, %c0_i32_1 : i32, i32, i32
  }
  func.func @transform_5(%arg0: i32) -> (i32, i32, i32) {
    %c0_i32 = arith.constant 0 : i32
    %c0_i32_0 = arith.constant 0 : i32
    %c0_i32_1 = arith.constant 0 : i32
    %c0_i32_2 = arith.constant 0 : i32
    return %c0_i32, %c0_i32_0, %c0_i32_1 : i32, i32, i32
  }
}

</mosaic_0001>

<sc_bundles>
// kernel: kernel.4.cloned.1.call-start
scs
__scs_entry_jumppad:
0x0: {  	(pc) =	sbr.rel $0x88, $3  }
0x1: {  	(tag) =	ssettag $0x0;
	lr =	simm.s32 $0x1  }
0x2: {  	[smem:$0x3F9F] =	sst lr;
	_ =	strace $0xD0000000  }
0x3: {  	_ = 	snop  }
0x4: {  	_ = 	snop  }
0x5: {  	_ = 	snop  }
0x6: {  	_ = 	snop  }
0x7: {  	_ = 	snop  }
__scs_overlays_trampoline_lowered:
0x8: {  	[smem:$0x3FAE] =	sst s0  }
0x9: {  	[smem:$0x3FAF] =	sst s1  }
0xa: {  	[smem:$0x3FB0] =	sst s2  }
0xb: {  	[smem:$0x3FB1] =	sst s3  }
0xc: {  	[smem:$0x3FB2] =	sst s4  }
0xd: {  	[smem:$0x3FB3] =	sst s5  }
0xe: {  	[smem:$0x3FB4] =	sst s6  }
0xf: {  	[smem:$0x3FB5] =	sst s7  }
0x10: {  	[smem:$0x3FB6] =	sst s8  }
0x11: {  	[smem:$0x3FB7] =	sst s9;
	s0 =	simm.s32 @!p0 $0x0  }
0x12: {  	s1 =	sld [smem:$0x3F9D];
	s0 =	simm.s32 @p0 $0x1  }
0x13: {  	[smem:$0x3FB8] =	sst s0;
	s0 =	simm.s32 @!p1 $0x0  }
0x14: {  	s2 =	sld [smem:$0x3F9C];
	s0 =	simm.s32 @p1 $0x1  }
0x15: {  	[smem:$0x3FB9] =	sst s0;
	s0 =	simm.s32 @!p2 $0x0  }
0x16: {  	s3 =	sld [smem:$0x3FDB];
	s0 =	simm.s32 @p2 $0x1  }
0x17: {  	s4 =	simm.s32 $0x1BF5;
	[smem:$0x3FBB] =	sst s0  }
0x18: {  	s0 =	sld [smem:$0x3F9E];
	_ =	swait.ge [sflag:s4], $0x0  }
0x19: {  	s7 =	sld [smem:$0x3F9F]  }
0x1a: {  	s8 =	sadd.s32 $0xFFFFE003, lr  }
0x1b: {  	s9 =	sadd.s32 $0xFFFFFEF7, lr;
	s5 =	simm.s32 $0xFFFFFFFF;
	p2 =	slt.u32 s8, $0xFFFFF086  }
0x1c: {  	p1 =	slt.u32 s9, $0xF7A;
	s5 =	simm.s32 @!p2 $0x0  }
0x1d: {  	s5 =	simm.s32 @p1 $0x1;
	p0 =	seq.s32 s7, s2  }
0x1e: {  	s7 =	smul.u32 @!p0 $0xF7A, s2;
	p2 =	seq.s32 @!p0 s5, $0x0  }
0x1f: {  	s9 =	smul.u32 $0xF7A, s1;
	s8 =	simm.s32 @!p0 $0x1BF5;
	p2 =	por !p2, p0  }
0x20: {  	[sflag:s8] =	ssyncset.s32 @!p0 $0xFFFFF086;
	s6 =	sadd.s32 @!p0 s3, s7;
	s7 =	simm.s32 @!p0 $0x108  }
0x21: {  	s3 =	sadd.s32 s3, s9;
	s6 =	sadd.s32 @!p0 $0x88, s6;
	s7 =	simm.s32 @p2 $0x1082  }
0x22: {  	[simem:s7], [sflag:s8] =	dma.local @!p0 [hbm:s6], $0xF7A  }
0x23: {  	s9 =	sor.u32 $0xD0000000, s2;
	s6 =	simm.s32 $0x108;
	_ =	swait.ge @!p0 [sflag:s8], $0x0  }
0x24: {  	s3 =	sadd.s32 $0x88, s3;
	s6 =	simm.s32 @!p1 $0x1082;
	[sflag:s4] =	ssyncset.s32 $0xFFFFF086  }
0x25: {  	[simem:s6], [sflag:s4] =	dma.local [hbm:s3], $0xF7A  }
0x26: {  	[smem:$0x3F9F] =	sst s1;
	(tag) =	ssettag s2;
	_ =	strace s9  }
0x27: {  	s1 =	sld [smem:$0x3FAF]  }
0x28: {  	s2 =	sld [smem:$0x3FB0]  }
0x29: {  	s4 =	sld [smem:$0x3FB2]  }
0x2a: {  	p0 =	seq.s32 s5, $0x0;
	s5 =	sld [smem:$0x3FB3]  }
0x2b: {  	s6 =	sld [smem:$0x3FB4]  }
0x2c: {  	s7 =	sld [smem:$0x3FB5]  }
0x2d: {  	s3 =	simm.s32 $0x108;
	s8 =	sld [smem:$0x3FB6]  }
0x2e: {  	s3 =	simm.s32 @!p0 $0x1082;
	s9 =	sld [smem:$0x3FB7]  }
0x2f: {  	lr =	sadd.s32 s0, s3;
	s0 =	sld [smem:$0x3FAE]  }
0x30: {  	s3 =	sld [smem:$0x3FB1]  }
0x31: {  	[smem:$0x3FBA] =	sst s10  }
0x32: {  	s10 =	sld [smem:$0x3FB8];
	_ =	sdelay $0x3  }
0x33: {  	p0 =	seq.s32 s10, $0x1;
	s10 =	sld [smem:$0x3FBA];
	_ =	sdelay $0x3  }
0x34: {  	[smem:$0x3FBA] =	sst s10  }
0x35: {  	s10 =	sld [smem:$0x3FB9];
	_ =	sdelay $0x3  }
0x36: {  	p1 =	seq.s32 s10, $0x1;
	s10 =	sld [smem:$0x3FBA];
	_ =	sdelay $0x3  }
0x37: {  	[smem:$0x3FBA] =	sst s10  }
0x38: {  	s10 =	sld [smem:$0x3FBB]  }
0x39: {  	_ = 	snop;
	(pc) =	sbr.ind lr, $3  }
0x3a: {  	_ = 	snop  }
0x3b: {  	_ = 	snop  }
0x3c: {  	p2 =	seq.s32 s10, $0x1;
	s10 =	sld [smem:$0x3FBA]  }
0x3d: {  	_ =	shalt  }
0x3e: {  	_ =	shalt  }
0x3f: {  	_ =	shalt  }
0x40: {  	_ =	shalt  }
0x41: {  	_ =	shalt  }
0x42: {  	_ =	shalt  }
0x43: {  	_ =	shalt  }
0x44: {  	_ =	shalt  }
0x45: {  	_ =	shalt  }
0x46: {  	_ =	shalt  }
0x47: {  	_ =	shalt  }
0x48: {  	_ =	shalt  }
0x49: {  	_ =	shalt  }
0x4a: {  	_ =	shalt  }
0x4b: {  	_ =	shalt  }
0x4c: {  	_ =	shalt  }
0x4d: {  	_ =	shalt  }
0x4e: {  	_ =	shalt  }
0x4f: {  	_ =	shalt  }
0x50: {  	_ =	shalt  }
0x51: {  	_ =	shalt  }
0x52: {  	_ =	shalt  }
0x53: {  	_ =	shalt  }
0x54: {  	_ =	shalt  }
0x55: {  	_ =	shalt  }
0x56: {  	_ =	shalt  }
0x57: {  	_ =	shalt  }
0x58: {  	_ =	shalt  }
0x59: {  	_ =	shalt  }
0x5a: {  	_ =	shalt  }
0x5b: {  	_ =	shalt  }
0x5c: {  	_ =	shalt  }
0x5d: {  	_ =	shalt  }
0x5e: {  	_ =	shalt  }
0x5f: {  	_ =	shalt  }
0x60: {  	_ =	shalt  }
0x61: {  	_ =	shalt  }
0x62: {  	_ =	shalt  }
0x63: {  	_ =	shalt  }
0x64: {  	_ =	shalt  }
0x65: {  	_ =	shalt  }
0x66: {  	_ =	shalt  }
0x67: {  	_ =	shalt  }
0x68: {  	_ =	shalt  }
0x69: {  	_ =	shalt  }
0x6a: {  	_ =	shalt  }
0x6b: {  	_ =	shalt  }
0x6c: {  	_ =	shalt  }
0x6d: {  	_ =	shalt  }
0x6e: {  	_ =	shalt  }
0x6f: {  	_ =	shalt  }
0x70: {  	_ =	shalt  }
0x71: {  	_ =	shalt  }
0x72: {  	_ =	shalt  }
0x73: {  	_ =	shalt  }
0x74: {  	_ =	shalt  }
0x75: {  	_ =	shalt  }
0x76: {  	_ =	shalt  }
0x77: {  	_ =	shalt  }
0x78: {  	_ =	shalt  }
0x79: {  	_ =	shalt  }
0x7a: {  	_ =	shalt  }
0x7b: {  	_ =	shalt  }
0x7c: {  	_ =	shalt  }
0x7d: {  	_ =	shalt  }
0x7e: {  	_ =	shalt  }
0x7f: {  	_ =	shalt  }
0x80: {  	_ =	shalt  }
0x81: {  	_ =	shalt  }
0x82: {  	_ =	shalt  }
0x83: {  	_ =	shalt  }
0x84: {  	_ =	shalt  }
0x85: {  	_ =	shalt  }
0x86: {  	_ =	shalt  }
0x87: {  	_ =	shalt  }
.Lfunc_end0:
.L_simem_size_0:
called_computation_lowered:
.L_overlay_start_0:
0x88: {  	s2 =	sld [smem:$0x3FD9]  }
0x89: {  	s3 =	sld [smem:$0x3FFE];
	_ =	sdelay $0x1  }
0x8a: {  	s1 =	srdreg.scid  }
0x8b: {  	s0 =	sand.u32 $0x1, s1  }
0x8c: {  	s14 =	sshll.u32 s0, $0xA;
	s2 =	sadd.s32 s3, s2  }
0x8d: {  	s2 =	sadd.s32 s2, s14  }
0x8e: {  	[smem:$0x3FC6] =	sst s2  }
0x8f: {  	_ = 	snop  }
0x90: {  	s2 =	sld [smem:$0x3FD0];
	_ =	sdelay $0x2  }
0x91: {  	s15 =	simm.s32 $0xA;
	s4 =	simm.s32 $0x10  }
0x92: {  	[smem:s4], [sflag:s15] =	dma.local [hbm:s2], $0x1  }
0x93: {  	_ =	swait.eq [sflag:s15], $0x1  }
0x94: {  	[sflag:s15] =	ssyncset.done $0x0  }
0x95: {  	[sflag:s15] =	ssyncadd.s32 $0xFFFFFFFF  }
0x96: {  	s16 =	sld [smem:$0x10];
	(tm) =	ssettm $0x1  }
0x97: {  	s17 =	sld [smem:$0x3FFB];
	_ =	sdelay $0x3  }
0x98: {  	_ =	strace s17  }
0x99: {  	s3 =	sld [smem:$0x3FFC];
	_ =	sdelay $0x3  }
0x9a: {  	_ =	strace s3  }
0x9b: {  	s3 =	sld [smem:$0x3FFD];
	_ =	sdelay $0x3  }
0x9c: {  	_ =	strace s3  }
0x9d: {  	_ =	strace $0x8FFFFFFF  }
0x9e: {  	s18 =	sld [smem:$0x3FDB];
	_ =	sdelay $0x1  }
0x9f: {  	s19 =	simm.s32 $_scs_section_size  }
0xa0: {  	s5 =	simm.s32 $_size__tile_overlayer_lowered;
	s6 =	simm.s32 $_tile_overlayer_lowered  }
0xa1: {  	s22 =	simm.s32 $0x1BFF;
	s21 =	sshll.u32 s6, $0x1;
	s3 =	sadd.s32 s19, s18  }
0xa2: {  	s7 =	simm.s32 $0x0;
	s20 =	sshll.u32 s5, $0x1;
	s5 =	sadd.s32 s21, s3  }
0xa3: {  	[timem:s7], [sflag:s22] =	dma.local [hbm:s5], s20  }
0xa4: {  	_ =	swait.ge [sflag:s22], s20  }
0xa5: {  	s4 =	ssub.s32 $0x0, s20;
	[sflag:s22] =	ssyncset.done $0x0  }
0xa6: {  	[sflag:s22] =	ssyncadd.s32 s4;
	_ =	sdelay $0x1  }
0xa7: {  	s23 =	simm.s32 $0x1B8B  }
0xa8: {  	_ =	swait.ge [sflag:s23], $0x1  }
0xa9: {  	[sflag:s23] =	ssyncset.done $0x0  }
0xaa: {  	s25 =	simm.s32 $0x1B8E;
	s24 =	sld [smem:$0x3FFE];
	[sflag:s23] =	ssyncadd.s32 $0xFFFFFFFF  }
0xab: {  	s26 =	simm.s32 $execute0_lowered;
	[smem:$0x3FD2] =	sst s25  }
0xac: {  	s5 =	sshll.u32 s26, $0x1;
	_ =	strace $0x80000046;
	[dreg:$0x1] =	wrdreg $0xFFFFFFFF  }
0xad: {  	s28 =	simm.s32 $_size_execute0_lowered;
	s3 =	sadd.s32 s3, s5;
	[dreg:$0x0] =	wrdreg $0x0  }
0xae: {  	s5 =	sshll.u32 s28, $0x1;
	[dreg:$0x2] =	wrdreg s3  }
0xaf: {  	[dreg:$0x3] =	wrdreg s5  }
0xb0: {  	[dreg:$0x4] =	wrdreg $0xC0  }
0xb1: {  	_ =	task [dreg:s7], $0x5FFFF  }
0xb2: {  	[dreg:$0x1] =	wrdreg $0xFFFFFFFF  }
0xb3: {  	[dreg:$0x0] =	wrdreg $0x60  }
0xb4: {  	[dreg:$0x2] =	wrdreg s24  }
0xb5: {  	[dreg:$0x3] =	wrdreg s16  }
0xb6: {  	[dreg:$0x4] =	wrdreg $0x9  }
0xb7: {  	_ =	task.clear_ibuf [dreg:s7], $0x5FFFF;
	_ =	strace $0x90000046  }
0xb8: {  	s29 =	simm.s32 $0x9;
	_ =	strace $0x80000048  }
0xb9: {  	_ =	swait.ge [sflag:s29], $0x1  }
0xba: {  	[sflag:s29] =	ssyncadd.s32 $0xFFFFFFFF  }
0xbb: {  	_ =	strace $0x90000048  }
0xbc: {  	_ =	sfence  }
0xbd: {  	s30 =	sld [smem:$0x0];
	_ =	sdelay $0x2  }
0xbe: {  	s31 =	sshll.u32 s1, $0xD;
	s1 =	sshrl.u32 s1, $0x2  }
0xbf: {  	s3 =	sand.u32 $0x4000, s31;
	s1 =	sadd.s32 s1, s30  }
0xc0: {  	s0 =	sor.u32 s3, s0;
	s1 =	sshll.u32 s1, $0x11  }
0xc1: {  	s0 =	sor.u32 s1, s0  }
0xc2: {  	s0 =	sadd.s32 $0x8F2B, s0  }
0xc3: {  	[sflag:s0] =	ssyncadd.remote.s32 $0x1  }
0xc4: {  	_ =	sfence.sel $0xFFFF  }
0xc5: {  	[dreg:$0x0] =	wrdreg $0xFFFFFFFF;
	(pc) =	sbr.abs _section_cstart, $3  }
0xc6: {  	[dreg:$0x1] =	wrdreg $0xFFFFFFFF  }
0xc7: {  	_ =	task.clear_ibuf [dreg:s7], $0x2FFFF;
	_ =	strace $0x9FFFFFFF  }
0xc8: {  	(tm) =	ssettm $0x7FFFFFFF  }
0xc9: {  	_ =	shalt  }
tec
execute0_lowered:
.L_overlay_start_1:
0x0: {  	(tag) =	ssettag $0x1  }
0x1: {  	s1 =	srdreg.scid  }
0x2: {  	s0 =	stileid.u32;
	s14 =	sand.u32 $0x1, s1  }
0x3: {  	s5 =	rddreg [dreg:$0x0];
	s29 =	sshll.u32 s0, $0xA;
	s2 =	sshll.u32 s14, $0x9  }
0x4: {  	s15 =	rddreg [dreg:$0x1];
	s16 =	sor.u32 s2, s29  }
0x5: {  	s1 =	rddreg [dreg:$0x2];
	s2 =	simm.s32 $0x0;
	s3 =	sshrl.u32 s16, $0x3  }
0x6: {  	[smem:$0x7FF] =	sst s2;
	s3 =	sadd.s32 s3, s5  }
0x7: {  	_ =	strace $0x80000047;
	s4 =	sadd.s32 $0x8400, s3;
	s3 =	simm.s32 $0x2  }
0x8: {  	[tilespmem:s2], [sflag:$0x2] =	stream.linear.gather [hbm4b:s4+s2], $0x200, $0x38;
	[tilespmem:$0x4200] =	vst v63  }
0x9: {  	_ =	swait.ge [sflag:s3], $0x200  }
0xa: {  	s6 =	simm.s32 $0x80;
	[sflag:s3] =	ssyncset.done $0x0  }
0xb: {  	s7 =	simm.s32 $0x200;
	s5 =	sadd.s32 $0x400, s5;
	[sflag:s3] =	ssyncadd.s32 $0xFFFFFE00  }
0xc: {  	[tilespmem:s7], [sflag:$0x1] =	stream.indirect.gather [hbm4b:s5+s6], $0x20, s2, s6, $0xb8;
	[tilespmem:$0x4200] =	vst v63  }
0xd: {  	s8 =	simm.s32 $0x1200  }
0xe: {  	[tilespmem:s8], [sflag:$0x1] =	stream.indirect.gather [hbm4b:s5+s6], $0x20, s6, s6, $0xb8;
	[tilespmem:$0x4200] =	vst v63  }
0xf: {  	s9 =	simm.s32 $0x100;
	s10 =	simm.s32 $0x2200  }
0x10: {  	[tilespmem:s10], [sflag:$0x1] =	stream.indirect.gather [hbm4b:s5+s6], $0x20, s9, s6, $0xb8;
	[tilespmem:$0x4200] =	vst v63  }
0x11: {  	s11 =	simm.s32 $0x180;
	s12 =	simm.s32 $0x3200;
	s13 =	simm.s32 $0x1  }
0x12: {  	[tilespmem:s12], [sflag:$0x1] =	stream.indirect.gather [hbm4b:s5+s6], $0x20, s11, s6, $0xb8;
	[tilespmem:$0x4200] =	vst v63  }
0x13: {  	_ =	swait.ge [sflag:s13], $0x1000  }
0x14: {  	[sflag:s13] =	ssyncset.done $0x0  }
0x15: {  	[sflag:s13] =	ssyncadd.s32 $0xFFFFF000  }
0x16: {  	_ =	swait.ge [sflag:s13], $0x1000  }
0x17: {  	[sflag:s13] =	ssyncset.done $0x0  }
0x18: {  	s14 =	ssub.s32 $0x2, s14;
	[sflag:s13] =	ssyncadd.s32 $0xFFFFF000  }
0x19: {  	s17 =	sshrl.u32 s14, $0x1;
	_ =	swait.ge [sflag:s13], $0x1000  }
0x1a: {  	s17 =	ssub.s32 s14, s17;
	[sflag:s13] =	ssyncset.done $0x0  }
0x1b: {  	s31 =	smax.u32 s17, $0x1;
	[sflag:s13] =	ssyncadd.s32 $0xFFFFF000  }
0x1c: {  	p0 =	sne.s32 s31, $0x1;
	_ =	swait.ge [sflag:s13], $0x1000  }
.Ltmp0:
0x1d: {  	s30 =	sshll.u32 s16, $0x2;
	[sflag:s13] =	ssyncset.done $0x0;
	(pc) =	sbr.rel @!p0 .LBB2_2-.Ltmp0, $4  }
0x1e: {  	s14 =	sadd.s32 s15, s30;
	[sflag:s13] =	ssyncadd.s32 $0xFFFFF000  }
0x1f: {  	[hbm4b:s14+s2] =	stream.linear.scatter [tilespmem:s7], [sflag:$0x2], $0x4000, $0x38;
	[tilespmem:$0x4200] =	vst v63  }
0x20: {  	_ =	swait.ge [sflag:s3], $0x4000  }
0x21: {  	s15 =	sadd.s32 $0xFFFFFFFF, s31;
	[sflag:s3] =	ssyncset.done $0x0  }
.LBB2_1:
0x22: {  	p0 =	sne.s32 s15, $0x1;
	s15 =	sadd.s32 $0xFFFFFFFF, s15;
	[sflag:s3] =	ssyncadd.s32 $0xFFFFC000  }
0x23: {  	[tilespmem:s2], [sflag:$0x2] =	stream.linear.gather [hbm4b:s4+s2], $0x200, $0x38;
	[tilespmem:$0x4200] =	vst v63  }
0x24: {  	_ =	swait.ge [sflag:s3], $0x200  }
0x25: {  	[sflag:s3] =	ssyncset.done $0x0  }
0x26: {  	[sflag:s3] =	ssyncadd.s32 $0xFFFFFE00  }
0x27: {  	[tilespmem:s7], [sflag:$0x1] =	stream.indirect.gather [hbm4b:s5+s6], $0x20, s2, s6, $0xb8;
	[tilespmem:$0x4200] =	vst v63  }
0x28: {  	_ = 	snop  }
0x29: {  	[tilespmem:s8], [sflag:$0x1] =	stream.indirect.gather [hbm4b:s5+s6], $0x20, s6, s6, $0xb8;
	[tilespmem:$0x4200] =	vst v63  }
0x2a: {  	_ = 	snop  }
0x2b: {  	[tilespmem:s10], [sflag:$0x1] =	stream.indirect.gather [hbm4b:s5+s6], $0x20, s9, s6, $0xb8;
	[tilespmem:$0x4200] =	vst v63  }
0x2c: {  	_ = 	snop  }
0x2d: {  	[tilespmem:s12], [sflag:$0x1] =	stream.indirect.gather [hbm4b:s5+s6], $0x20, s11, s6, $0xb8;
	[tilespmem:$0x4200] =	vst v63  }
0x2e: {  	_ =	swait.ge [sflag:s13], $0x1000  }
0x2f: {  	[sflag:s13] =	ssyncset.done $0x0  }
0x30: {  	[sflag:s13] =	ssyncadd.s32 $0xFFFFF000  }
0x31: {  	_ =	swait.ge [sflag:s13], $0x1000  }
0x32: {  	[sflag:s13] =	ssyncset.done $0x0  }
0x33: {  	[sflag:s13] =	ssyncadd.s32 $0xFFFFF000  }
0x34: {  	_ =	swait.ge [sflag:s13], $0x1000  }
0x35: {  	[sflag:s13] =	ssyncset.done $0x0  }
0x36: {  	[sflag:s13] =	ssyncadd.s32 $0xFFFFF000  }
0x37: {  	_ =	swait.ge [sflag:s13], $0x1000  }
.Ltmp1:
0x38: {  	[sflag:s13] =	ssyncset.done $0x0;
	(pc) =	sbr.rel @p0 .LBB2_1-.Ltmp1, $4  }
0x39: {  	[sflag:s13] =	ssyncadd.s32 $0xFFFFF000  }
0x3a: {  	[hbm4b:s14+s2] =	stream.linear.scatter [tilespmem:s7], [sflag:$0x2], $0x4000, $0x38;
	[tilespmem:$0x4200] =	vst v63  }
0x3b: {  	_ =	swait.ge [sflag:s3], $0x4000  }
0x3c: {  	[sflag:s3] =	ssyncset.done $0x0  }
.LBB2_2:
0x3d: {  	[sflag:s3] =	ssyncadd.s32 $0xFFFFC000  }
0x3e: {  	_ =	sfence.sel $0x180000  }
0x3f: {  	[bflag:$0x0] =	sbarrier.arrive $0xFFFF  }
0x40: {  	p0 =	sne.s32 s0, $0x0;
	_ =	strace $0x90000047  }
0x41: {  	s0 =	sadd.s32 @!p0 $0x100000, s1;
	[bflag:$0x2] =	sbarrier.arrive $0xFFFF  }
0x42: {  	[sflag:s0] =	ssyncadd.tile.s32 @!p0 $0x1;
	_ =	shalt  }
.Lfunc_end2:
_tile_overlayer_lowered:
.L_overlay_start_2:
0x43: {  	(tag) =	ssettag $0x2  }
0x44: {  	s0 =	rddreg [dreg:$0x0];
	s2 =	stileid.u32  }
0x45: {  	s1 =	rddreg [dreg:$0x1];
	p0 =	sne.s32 s2, $0x0  }
0x46: {  	s3 =	rddreg [dreg:$0x2];
	[bflag:$0x3] =	sbarrier.arrive $0xFFFF;
	s2 =	simm.s32 @!p0 $0x1C02  }
0x47: {  	[timem:s3], [sflag:s2] =	dma.local @!p0 [hbm:s0], s1  }
0x48: {  	s0 =	simm.s32 @!p0 $0x2  }
0x49: {  	_ =	swait.ge @!p0 [sflag:s0], s1  }
0x4a: {  	s1 =	ssub.s32 @!p0 $0x0, s1;
	[sflag:s0] =	ssyncset.done @!p0 $0x0  }
0x4b: {  	[sflag:s0] =	ssyncadd.s32 @!p0 s1  }
0x4c: {  	[bflag:$0x3] =	sbarrier.arrive $0xFFFF  }
0x4d: {  	_ =	shalt  }

</sc_bundles>
